<compile_context>
chip_gen: v7x
topology: tpu7x:2x2x1
jax: 0.10.2.dev20260603
libtpu: 0.0.44.dev20260713+nightly
codegen_flags: <defaults>
</compile_context>

<pallas_src>
import jax
import jax.numpy as jnp
from jax import lax
from jax.experimental import pallas as pl
from jax.experimental.pallas import tpu as pltpu
from jax.experimental.pallas import tpu_sc as plsc

_NC = 2
_NS = 16
_CH = 128


def kernel(temporal_info, doy_weight):
    B, T, N, F = temporal_info.shape
    V, D = doy_weight.shape
    num_indices = B * N

    flat_ti = temporal_info.astype(jnp.int32).reshape(B * T * N * F)
    p = jnp.arange(num_indices, dtype=jnp.int32)
    word_idx = ((p // N) * (T * N * F) + (p % N) * F + (F - 1)).reshape(
        1, num_indices)

    per_w = num_indices // (_NC * _NS)
    nch = per_w // _CH

    mesh = plsc.VectorSubcoreMesh(core_axis_name="c", subcore_axis_name="s")

    @pl.kernel(
        out_type=jax.ShapeDtypeStruct((num_indices, D), doy_weight.dtype),
        mesh=mesh,
        scratch_types=[
            pltpu.VMEM_SHARED((V, D), doy_weight.dtype),
            pltpu.VMEM((per_w,), jnp.int32),
            pltpu.VMEM((per_w,), jnp.int32),
            pltpu.VMEM((2, 2 * _CH, D), doy_weight.dtype),
            pltpu.SemaphoreType.DMA,
            pltpu.SemaphoreType.DMA,
        ],
    )
    def gather_kernel(ti_hbm, widx_hbm, table_hbm, out_hbm,
                      table_s, widx_v, idx_v, rows_v, sem0, sem1):
        c = lax.axis_index("c")
        s = lax.axis_index("s")

        base = (c * _NS + s) * per_w
        pltpu.sync_copy(widx_hbm.at[0, pl.ds(base, per_w)], widx_v)

        doy_dmas = [
            pltpu.async_copy(
                ti_hbm.at[widx_v.at[pl.ds(ch * _CH, _CH)]],
                idx_v.at[pl.ds(ch * _CH, _CH)],
                sem1,
            )
            for ch in range(nch)
        ]

        @pl.when(s == 0)
        def _():
            pltpu.sync_copy(table_hbm, table_s)

        plsc.subcore_barrier()
        for dma in doy_dmas:
            dma.wait()

        sems = (sem0, sem1)
        ngrp = nch // 2
        grp_rows = 2 * _CH

        def run_group(g, b):
            for h in range(2):
                pltpu.sync_copy(
                    table_s.at[idx_v.at[pl.ds((2 * g + h) * _CH, _CH)]],
                    rows_v.at[b, pl.ds(h * _CH, _CH)],
                )
            return pltpu.async_copy(
                rows_v.at[b],
                out_hbm.at[pl.ds(base + g * grp_rows, grp_rows)],
                sems[b],
            )

        primed = [run_group(g, g) for g in range(2)]

        @pl.loop(2, ngrp, step=2)
        def _(g):
            for b in range(2):
                pltpu.make_async_copy(
                    rows_v.at[b],
                    out_hbm.at[pl.ds(base, grp_rows)],
                    sems[b],
                ).wait()
                run_group(g + b, b)

        for b in range(2):
            primed[b].wait()

    return gather_kernel(flat_ti, word_idx, doy_weight).reshape(B, N, D)

# --- scband reference (transcript-rebuilt; emitter-appended) ---
"""Pipeline reference for scband-temporal-encoder-10110353014891 (READ-ONLY COPY).

The authoritative reference and input builder live on the scoring server;
editing this copy changes nothing except your own understanding.
"""

import jax, jax.numpy as jnp
import numpy as np


def setup_inputs(seed: int = 0) -> dict:
    key = jax.random.key(seed)
    k1, k2 = jax.random.split(key)
    temporal_info = jax.random.randint(k1, (64, 2, 1024, 12), 0, 366, dtype=jnp.int64)
    # xavier_uniform for Embedding(366, 128): bound = sqrt(6/(366+128))
    bound = float(np.sqrt(6.0 / (366 + 128)))
    doy_weight = jax.random.uniform(k2, (366, 128), dtype=jnp.float32, minval=-bound, maxval=bound)
    return {"temporal_info": temporal_info, "doy_weight": doy_weight}


def reference(temporal_info, doy_weight):
    # doy = temporal_info[:, 0, :, -1].long()
    doy = temporal_info[:, 0, :, -1].astype(jnp.int32)
    # doy_emb = self.doy_embedding(doy)  -> gather rows of the table
    doy_emb = jnp.take(doy_weight, doy, axis=0)
    return doy_emb

if __name__ == "__main__":
    import jax
    _d = setup_inputs()
    print(jax.jit(kernel)(*tuple(_d.values())))

</pallas_src>

<mosaic_0001>
#map = affine_map<(d0, d1) -> (0)>
#map1 = affine_map<(d0, d1) -> (0, 0)>
module attributes {stable_mosaic.version = 14 : i64} {
  func.func @gather_kernel(%arg0: i32, %arg1: i32, %arg2: memref<1572864xi32, #tpu.memory_space<hbm>>, %arg3: memref<1x65536xi32, #tpu.memory_space<hbm>>, %arg4: memref<366x128xf32, #tpu.memory_space<hbm>>, %arg5: memref<65536x128xf32, #tpu.memory_space<hbm>>, %arg6: memref<366x128xf32, #tpu.memory_space<vmem_shared>>, %arg7: memref<2048xi32, #tpu.memory_space<vmem>>, %arg8: memref<2048xi32, #tpu.memory_space<vmem>>, %arg9: memref<2x256x128xf32, #tpu.memory_space<vmem>>, %arg10: memref<!tpu.dma_semaphore, #tpu.memory_space<semaphore_mem>>, %arg11: memref<!tpu.dma_semaphore, #tpu.memory_space<semaphore_mem>>) attributes {dimension_semantics = [#tpu.dimension_semantics<core_parallel>, #tpu.dimension_semantics<subcore_parallel>], iteration_bounds = array<i64: 2, 16>, scalar_prefetch = 0 : i64, scratch_operands = 6 : i64, tpu.core_type = #tpu.core_type<sc_vector_subcore>, window_params = [{transform_indices = #map}, {transform_indices = #map1}, {transform_indices = #map1}, {transform_indices = #map1}]} {
    %mul3A = arith.constant 16 : i32
    %mul3A_0 = arith.muli %arg0, %mul3A : i32
    %add3A = arith.addi %mul3A_0, %arg1 : i32
    %mul3A_1 = arith.constant 2048 : i32
    %mul3A_2 = arith.muli %add3A, %mul3A_1 : i32
    %run_scoped3A = arith.constant 0 : i32
    "tpu.region"() ({
      %run_scoped3A_259 = tpu.sem_alloc : memref<!tpu.dma_semaphore, #tpu.memory_space<semaphore_mem>>
      %dma_start3A_260 = tpu.memref_slice %arg3[%run_scoped3A, %mul3A_2] : memref<1x65536xi32, #tpu.memory_space<hbm>> -> memref<1x2048xi32, #tpu.memory_space<hbm>>
      %dma_start3A_261 = tpu.memref_squeeze %dma_start3A_260 : memref<1x2048xi32, #tpu.memory_space<hbm>> -> memref<2048xi32, #tpu.memory_space<hbm>>
      %dma_start3A_262 = tpu.memref_slice %arg3[%run_scoped3A, %mul3A_2] : memref<1x65536xi32, #tpu.memory_space<hbm>> -> memref<1x2048xi32, #tpu.memory_space<hbm>>
      %dma_start3A_263 = tpu.memref_squeeze %dma_start3A_262 : memref<1x2048xi32, #tpu.memory_space<hbm>> -> memref<2048xi32, #tpu.memory_space<hbm>>
      tpu.enqueue_dma source(%dma_start3A_263 : memref<2048xi32, #tpu.memory_space<hbm>>) target(%arg7 : memref<2048xi32, #tpu.memory_space<vmem>>) target_semaphore(%run_scoped3A_259 : memref<!tpu.dma_semaphore, #tpu.memory_space<semaphore_mem>>)
      %dma_wait3A_264 = tpu.memref_slice %arg3[%run_scoped3A, %mul3A_2] : memref<1x65536xi32, #tpu.memory_space<hbm>> -> memref<1x2048xi32, #tpu.memory_space<hbm>>
      %dma_wait3A_265 = tpu.memref_squeeze %dma_wait3A_264 : memref<1x2048xi32, #tpu.memory_space<hbm>> -> memref<2048xi32, #tpu.memory_space<hbm>>
      %dma_wait3A_266 = tpu.memref_slice %arg3[%run_scoped3A, %mul3A_2] : memref<1x65536xi32, #tpu.memory_space<hbm>> -> memref<1x2048xi32, #tpu.memory_space<hbm>>
      %dma_wait3A_267 = tpu.memref_squeeze %dma_wait3A_266 : memref<1x2048xi32, #tpu.memory_space<hbm>> -> memref<2048xi32, #tpu.memory_space<hbm>>
      tpu.wait_dma2 semaphore(%run_scoped3A_259 : memref<!tpu.dma_semaphore, #tpu.memory_space<semaphore_mem>>) src(%dma_wait3A_267 : memref<2048xi32, #tpu.memory_space<hbm>>) dst(%arg7 : memref<2048xi32, #tpu.memory_space<vmem>>)
      tpu.yield
    }) : () -> ()
    %dma_start3A = arith.constant 0 : i32
    %dma_start3A_3 = tpu.memref_slice %arg8[%dma_start3A] : memref<2048xi32, #tpu.memory_space<vmem>> -> memref<128xi32, #tpu.memory_space<vmem>>
    %dma_start3A_4 = arith.constant 0 : i32
    %dma_start3A_5 = tpu.memref_slice %arg7[%dma_start3A_4] : memref<2048xi32, #tpu.memory_space<vmem>> -> memref<128xi32, #tpu.memory_space<vmem>>
    %dma_start3A_6 = arith.constant 0 : i32
    %dma_start3A_7 = tpu.memref_slice %arg2[%dma_start3A_6] : memref<1572864xi32, #tpu.memory_space<hbm>> -> memref<1572864xi32, #tpu.memory_space<hbm>>
    tpu.enqueue_indirect_dma source(%dma_start3A_7 : memref<1572864xi32, #tpu.memory_space<hbm>>) target(%dma_start3A_3 : memref<128xi32, #tpu.memory_space<vmem>>) offsets(%dma_start3A_5 : memref<128xi32, #tpu.memory_space<vmem>>) semaphore(%arg11 : memref<!tpu.dma_semaphore, #tpu.memory_space<semaphore_mem>>)
    %dma_start3A_8 = arith.constant 128 : i32
    %dma_start3A_9 = tpu.memref_slice %arg8[%dma_start3A_8] : memref<2048xi32, #tpu.memory_space<vmem>> -> memref<128xi32, #tpu.memory_space<vmem>>
    %dma_start3A_10 = arith.constant 128 : i32
    %dma_start3A_11 = tpu.memref_slice %arg7[%dma_start3A_10] : memref<2048xi32, #tpu.memory_space<vmem>> -> memref<128xi32, #tpu.memory_space<vmem>>
    %dma_start3A_12 = arith.constant 0 : i32
    %dma_start3A_13 = tpu.memref_slice %arg2[%dma_start3A_12] : memref<1572864xi32, #tpu.memory_space<hbm>> -> memref<1572864xi32, #tpu.memory_space<hbm>>
    tpu.enqueue_indirect_dma source(%dma_start3A_13 : memref<1572864xi32, #tpu.memory_space<hbm>>) target(%dma_start3A_9 : memref<128xi32, #tpu.memory_space<vmem>>) offsets(%dma_start3A_11 : memref<128xi32, #tpu.memory_space<vmem>>) semaphore(%arg11 : memref<!tpu.dma_semaphore, #tpu.memory_space<semaphore_mem>>)
    %dma_start3A_14 = arith.constant 256 : i32
    %dma_start3A_15 = tpu.memref_slice %arg8[%dma_start3A_14] : memref<2048xi32, #tpu.memory_space<vmem>> -> memref<128xi32, #tpu.memory_space<vmem>>
    %dma_start3A_16 = arith.constant 256 : i32
    %dma_start3A_17 = tpu.memref_slice %arg7[%dma_start3A_16] : memref<2048xi32, #tpu.memory_space<vmem>> -> memref<128xi32, #tpu.memory_space<vmem>>
    %dma_start3A_18 = arith.constant 0 : i32
    %dma_start3A_19 = tpu.memref_slice %arg2[%dma_start3A_18] : memref<1572864xi32, #tpu.memory_space<hbm>> -> memref<1572864xi32, #tpu.memory_space<hbm>>
    tpu.enqueue_indirect_dma source(%dma_start3A_19 : memref<1572864xi32, #tpu.memory_space<hbm>>) target(%dma_start3A_15 : memref<128xi32, #tpu.memory_space<vmem>>) offsets(%dma_start3A_17 : memref<128xi32, #tpu.memory_space<vmem>>) semaphore(%arg11 : memref<!tpu.dma_semaphore, #tpu.memory_space<semaphore_mem>>)
    %dma_start3A_20 = arith.constant 384 : i32
    %dma_start3A_21 = tpu.memref_slice %arg8[%dma_start3A_20] : memref<2048xi32, #tpu.memory_space<vmem>> -> memref<128xi32, #tpu.memory_space<vmem>>
    %dma_start3A_22 = arith.constant 384 : i32
    %dma_start3A_23 = tpu.memref_slice %arg7[%dma_start3A_22] : memref<2048xi32, #tpu.memory_space<vmem>> -> memref<128xi32, #tpu.memory_space<vmem>>
    %dma_start3A_24 = arith.constant 0 : i32
    %dma_start3A_25 = tpu.memref_slice %arg2[%dma_start3A_24] : memref<1572864xi32, #tpu.memory_space<hbm>> -> memref<1572864xi32, #tpu.memory_space<hbm>>
    tpu.enqueue_indirect_dma source(%dma_start3A_25 : memref<1572864xi32, #tpu.memory_space<hbm>>) target(%dma_start3A_21 : memref<128xi32, #tpu.memory_space<vmem>>) offsets(%dma_start3A_23 : memref<128xi32, #tpu.memory_space<vmem>>) semaphore(%arg11 : memref<!tpu.dma_semaphore, #tpu.memory_space<semaphore_mem>>)
    %dma_start3A_26 = arith.constant 512 : i32
    %dma_start3A_27 = tpu.memref_slice %arg8[%dma_start3A_26] : memref<2048xi32, #tpu.memory_space<vmem>> -> memref<128xi32, #tpu.memory_space<vmem>>
    %dma_start3A_28 = arith.constant 512 : i32
    %dma_start3A_29 = tpu.memref_slice %arg7[%dma_start3A_28] : memref<2048xi32, #tpu.memory_space<vmem>> -> memref<128xi32, #tpu.memory_space<vmem>>
    %dma_start3A_30 = arith.constant 0 : i32
    %dma_start3A_31 = tpu.memref_slice %arg2[%dma_start3A_30] : memref<1572864xi32, #tpu.memory_space<hbm>> -> memref<1572864xi32, #tpu.memory_space<hbm>>
    tpu.enqueue_indirect_dma source(%dma_start3A_31 : memref<1572864xi32, #tpu.memory_space<hbm>>) target(%dma_start3A_27 : memref<128xi32, #tpu.memory_space<vmem>>) offsets(%dma_start3A_29 : memref<128xi32, #tpu.memory_space<vmem>>) semaphore(%arg11 : memref<!tpu.dma_semaphore, #tpu.memory_space<semaphore_mem>>)
    %dma_start3A_32 = arith.constant 640 : i32
    %dma_start3A_33 = tpu.memref_slice %arg8[%dma_start3A_32] : memref<2048xi32, #tpu.memory_space<vmem>> -> memref<128xi32, #tpu.memory_space<vmem>>
    %dma_start3A_34 = arith.constant 640 : i32
    %dma_start3A_35 = tpu.memref_slice %arg7[%dma_start3A_34] : memref<2048xi32, #tpu.memory_space<vmem>> -> memref<128xi32, #tpu.memory_space<vmem>>
    %dma_start3A_36 = arith.constant 0 : i32
    %dma_start3A_37 = tpu.memref_slice %arg2[%dma_start3A_36] : memref<1572864xi32, #tpu.memory_space<hbm>> -> memref<1572864xi32, #tpu.memory_space<hbm>>
    tpu.enqueue_indirect_dma source(%dma_start3A_37 : memref<1572864xi32, #tpu.memory_space<hbm>>) target(%dma_start3A_33 : memref<128xi32, #tpu.memory_space<vmem>>) offsets(%dma_start3A_35 : memref<128xi32, #tpu.memory_space<vmem>>) semaphore(%arg11 : memref<!tpu.dma_semaphore, #tpu.memory_space<semaphore_mem>>)
    %dma_start3A_38 = arith.constant 768 : i32
    %dma_start3A_39 = tpu.memref_slice %arg8[%dma_start3A_38] : memref<2048xi32, #tpu.memory_space<vmem>> -> memref<128xi32, #tpu.memory_space<vmem>>
    %dma_start3A_40 = arith.constant 768 : i32
    %dma_start3A_41 = tpu.memref_slice %arg7[%dma_start3A_40] : memref<2048xi32, #tpu.memory_space<vmem>> -> memref<128xi32, #tpu.memory_space<vmem>>
    %dma_start3A_42 = arith.constant 0 : i32
    %dma_start3A_43 = tpu.memref_slice %arg2[%dma_start3A_42] : memref<1572864xi32, #tpu.memory_space<hbm>> -> memref<1572864xi32, #tpu.memory_space<hbm>>
    tpu.enqueue_indirect_dma source(%dma_start3A_43 : memref<1572864xi32, #tpu.memory_space<hbm>>) target(%dma_start3A_39 : memref<128xi32, #tpu.memory_space<vmem>>) offsets(%dma_start3A_41 : memref<128xi32, #tpu.memory_space<vmem>>) semaphore(%arg11 : memref<!tpu.dma_semaphore, #tpu.memory_space<semaphore_mem>>)
    %dma_start3A_44 = arith.constant 896 : i32
    %dma_start3A_45 = tpu.memref_slice %arg8[%dma_start3A_44] : memref<2048xi32, #tpu.memory_space<vmem>> -> memref<128xi32, #tpu.memory_space<vmem>>
    %dma_start3A_46 = arith.constant 896 : i32
    %dma_start3A_47 = tpu.memref_slice %arg7[%dma_start3A_46] : memref<2048xi32, #tpu.memory_space<vmem>> -> memref<128xi32, #tpu.memory_space<vmem>>
    %dma_start3A_48 = arith.constant 0 : i32
    %dma_start3A_49 = tpu.memref_slice %arg2[%dma_start3A_48] : memref<1572864xi32, #tpu.memory_space<hbm>> -> memref<1572864xi32, #tpu.memory_space<hbm>>
    tpu.enqueue_indirect_dma source(%dma_start3A_49 : memref<1572864xi32, #tpu.memory_space<hbm>>) target(%dma_start3A_45 : memref<128xi32, #tpu.memory_space<vmem>>) offsets(%dma_start3A_47 : memref<128xi32, #tpu.memory_space<vmem>>) semaphore(%arg11 : memref<!tpu.dma_semaphore, #tpu.memory_space<semaphore_mem>>)
    %dma_start3A_50 = arith.constant 1024 : i32
    %dma_start3A_51 = tpu.memref_slice %arg8[%dma_start3A_50] : memref<2048xi32, #tpu.memory_space<vmem>> -> memref<128xi32, #tpu.memory_space<vmem>>
    %dma_start3A_52 = arith.constant 1024 : i32
    %dma_start3A_53 = tpu.memref_slice %arg7[%dma_start3A_52] : memref<2048xi32, #tpu.memory_space<vmem>> -> memref<128xi32, #tpu.memory_space<vmem>>
    %dma_start3A_54 = arith.constant 0 : i32
    %dma_start3A_55 = tpu.memref_slice %arg2[%dma_start3A_54] : memref<1572864xi32, #tpu.memory_space<hbm>> -> memref<1572864xi32, #tpu.memory_space<hbm>>
    tpu.enqueue_indirect_dma source(%dma_start3A_55 : memref<1572864xi32, #tpu.memory_space<hbm>>) target(%dma_start3A_51 : memref<128xi32, #tpu.memory_space<vmem>>) offsets(%dma_start3A_53 : memref<128xi32, #tpu.memory_space<vmem>>) semaphore(%arg11 : memref<!tpu.dma_semaphore, #tpu.memory_space<semaphore_mem>>)
    %dma_start3A_56 = arith.constant 1152 : i32
    %dma_start3A_57 = tpu.memref_slice %arg8[%dma_start3A_56] : memref<2048xi32, #tpu.memory_space<vmem>> -> memref<128xi32, #tpu.memory_space<vmem>>
    %dma_start3A_58 = arith.constant 1152 : i32
    %dma_start3A_59 = tpu.memref_slice %arg7[%dma_start3A_58] : memref<2048xi32, #tpu.memory_space<vmem>> -> memref<128xi32, #tpu.memory_space<vmem>>
    %dma_start3A_60 = arith.constant 0 : i32
    %dma_start3A_61 = tpu.memref_slice %arg2[%dma_start3A_60] : memref<1572864xi32, #tpu.memory_space<hbm>> -> memref<1572864xi32, #tpu.memory_space<hbm>>
    tpu.enqueue_indirect_dma source(%dma_start3A_61 : memref<1572864xi32, #tpu.memory_space<hbm>>) target(%dma_start3A_57 : memref<128xi32, #tpu.memory_space<vmem>>) offsets(%dma_start3A_59 : memref<128xi32, #tpu.memory_space<vmem>>) semaphore(%arg11 : memref<!tpu.dma_semaphore, #tpu.memory_space<semaphore_mem>>)
    %dma_start3A_62 = arith.constant 1280 : i32
    %dma_start3A_63 = tpu.memref_slice %arg8[%dma_start3A_62] : memref<2048xi32, #tpu.memory_space<vmem>> -> memref<128xi32, #tpu.memory_space<vmem>>
    %dma_start3A_64 = arith.constant 1280 : i32
    %dma_start3A_65 = tpu.memref_slice %arg7[%dma_start3A_64] : memref<2048xi32, #tpu.memory_space<vmem>> -> memref<128xi32, #tpu.memory_space<vmem>>
    %dma_start3A_66 = arith.constant 0 : i32
    %dma_start3A_67 = tpu.memref_slice %arg2[%dma_start3A_66] : memref<1572864xi32, #tpu.memory_space<hbm>> -> memref<1572864xi32, #tpu.memory_space<hbm>>
    tpu.enqueue_indirect_dma source(%dma_start3A_67 : memref<1572864xi32, #tpu.memory_space<hbm>>) target(%dma_start3A_63 : memref<128xi32, #tpu.memory_space<vmem>>) offsets(%dma_start3A_65 : memref<128xi32, #tpu.memory_space<vmem>>) semaphore(%arg11 : memref<!tpu.dma_semaphore, #tpu.memory_space<semaphore_mem>>)
    %dma_start3A_68 = arith.constant 1408 : i32
    %dma_start3A_69 = tpu.memref_slice %arg8[%dma_start3A_68] : memref<2048xi32, #tpu.memory_space<vmem>> -> memref<128xi32, #tpu.memory_space<vmem>>
    %dma_start3A_70 = arith.constant 1408 : i32
    %dma_start3A_71 = tpu.memref_slice %arg7[%dma_start3A_70] : memref<2048xi32, #tpu.memory_space<vmem>> -> memref<128xi32, #tpu.memory_space<vmem>>
    %dma_start3A_72 = arith.constant 0 : i32
    %dma_start3A_73 = tpu.memref_slice %arg2[%dma_start3A_72] : memref<1572864xi32, #tpu.memory_space<hbm>> -> memref<1572864xi32, #tpu.memory_space<hbm>>
    tpu.enqueue_indirect_dma source(%dma_start3A_73 : memref<1572864xi32, #tpu.memory_space<hbm>>) target(%dma_start3A_69 : memref<128xi32, #tpu.memory_space<vmem>>) offsets(%dma_start3A_71 : memref<128xi32, #tpu.memory_space<vmem>>) semaphore(%arg11 : memref<!tpu.dma_semaphore, #tpu.memory_space<semaphore_mem>>)
    %dma_start3A_74 = arith.constant 1536 : i32
    %dma_start3A_75 = tpu.memref_slice %arg8[%dma_start3A_74] : memref<2048xi32, #tpu.memory_space<vmem>> -> memref<128xi32, #tpu.memory_space<vmem>>
    %dma_start3A_76 = arith.constant 1536 : i32
    %dma_start3A_77 = tpu.memref_slice %arg7[%dma_start3A_76] : memref<2048xi32, #tpu.memory_space<vmem>> -> memref<128xi32, #tpu.memory_space<vmem>>
    %dma_start3A_78 = arith.constant 0 : i32
    %dma_start3A_79 = tpu.memref_slice %arg2[%dma_start3A_78] : memref<1572864xi32, #tpu.memory_space<hbm>> -> memref<1572864xi32, #tpu.memory_space<hbm>>
    tpu.enqueue_indirect_dma source(%dma_start3A_79 : memref<1572864xi32, #tpu.memory_space<hbm>>) target(%dma_start3A_75 : memref<128xi32, #tpu.memory_space<vmem>>) offsets(%dma_start3A_77 : memref<128xi32, #tpu.memory_space<vmem>>) semaphore(%arg11 : memref<!tpu.dma_semaphore, #tpu.memory_space<semaphore_mem>>)
    %dma_start3A_80 = arith.constant 1664 : i32
    %dma_start3A_81 = tpu.memref_slice %arg8[%dma_start3A_80] : memref<2048xi32, #tpu.memory_space<vmem>> -> memref<128xi32, #tpu.memory_space<vmem>>
    %dma_start3A_82 = arith.constant 1664 : i32
    %dma_start3A_83 = tpu.memref_slice %arg7[%dma_start3A_82] : memref<2048xi32, #tpu.memory_space<vmem>> -> memref<128xi32, #tpu.memory_space<vmem>>
    %dma_start3A_84 = arith.constant 0 : i32
    %dma_start3A_85 = tpu.memref_slice %arg2[%dma_start3A_84] : memref<1572864xi32, #tpu.memory_space<hbm>> -> memref<1572864xi32, #tpu.memory_space<hbm>>
    tpu.enqueue_indirect_dma source(%dma_start3A_85 : memref<1572864xi32, #tpu.memory_space<hbm>>) target(%dma_start3A_81 : memref<128xi32, #tpu.memory_space<vmem>>) offsets(%dma_start3A_83 : memref<128xi32, #tpu.memory_space<vmem>>) semaphore(%arg11 : memref<!tpu.dma_semaphore, #tpu.memory_space<semaphore_mem>>)
    %dma_start3A_86 = arith.constant 1792 : i32
    %dma_start3A_87 = tpu.memref_slice %arg8[%dma_start3A_86] : memref<2048xi32, #tpu.memory_space<vmem>> -> memref<128xi32, #tpu.memory_space<vmem>>
    %dma_start3A_88 = arith.constant 1792 : i32
    %dma_start3A_89 = tpu.memref_slice %arg7[%dma_start3A_88] : memref<2048xi32, #tpu.memory_space<vmem>> -> memref<128xi32, #tpu.memory_space<vmem>>
    %dma_start3A_90 = arith.constant 0 : i32
    %dma_start3A_91 = tpu.memref_slice %arg2[%dma_start3A_90] : memref<1572864xi32, #tpu.memory_space<hbm>> -> memref<1572864xi32, #tpu.memory_space<hbm>>
    tpu.enqueue_indirect_dma source(%dma_start3A_91 : memref<1572864xi32, #tpu.memory_space<hbm>>) target(%dma_start3A_87 : memref<128xi32, #tpu.memory_space<vmem>>) offsets(%dma_start3A_89 : memref<128xi32, #tpu.memory_space<vmem>>) semaphore(%arg11 : memref<!tpu.dma_semaphore, #tpu.memory_space<semaphore_mem>>)
    %dma_start3A_92 = arith.constant 1920 : i32
    %dma_start3A_93 = tpu.memref_slice %arg8[%dma_start3A_92] : memref<2048xi32, #tpu.memory_space<vmem>> -> memref<128xi32, #tpu.memory_space<vmem>>
    %dma_start3A_94 = arith.constant 1920 : i32
    %dma_start3A_95 = tpu.memref_slice %arg7[%dma_start3A_94] : memref<2048xi32, #tpu.memory_space<vmem>> -> memref<128xi32, #tpu.memory_space<vmem>>
    %dma_start3A_96 = arith.constant 0 : i32
    %dma_start3A_97 = tpu.memref_slice %arg2[%dma_start3A_96] : memref<1572864xi32, #tpu.memory_space<hbm>> -> memref<1572864xi32, #tpu.memory_space<hbm>>
    tpu.enqueue_indirect_dma source(%dma_start3A_97 : memref<1572864xi32, #tpu.memory_space<hbm>>) target(%dma_start3A_93 : memref<128xi32, #tpu.memory_space<vmem>>) offsets(%dma_start3A_95 : memref<128xi32, #tpu.memory_space<vmem>>) semaphore(%arg11 : memref<!tpu.dma_semaphore, #tpu.memory_space<semaphore_mem>>)
    %eq3A = arith.constant 0 : i32
    %eq3A_98 = arith.cmpi eq, %arg1, %eq3A : i32
    %convert_element_type3A = arith.extui %eq3A_98 : i1 to i32
    %cond3A = arith.constant 0 : i32
    %cond3A_99 = arith.cmpi ne, %convert_element_type3A, %cond3A : i32
    scf.if %cond3A_99 {
      "tpu.region"() ({
        %run_scoped3A_259 = tpu.sem_alloc : memref<!tpu.dma_semaphore, #tpu.memory_space<semaphore_mem>>
        tpu.enqueue_dma source(%arg4 : memref<366x128xf32, #tpu.memory_space<hbm>>) target(%arg6 : memref<366x128xf32, #tpu.memory_space<vmem_shared>>) target_semaphore(%run_scoped3A_259 : memref<!tpu.dma_semaphore, #tpu.memory_space<semaphore_mem>>)
        tpu.wait_dma2 semaphore(%run_scoped3A_259 : memref<!tpu.dma_semaphore, #tpu.memory_space<semaphore_mem>>) src(%arg4 : memref<366x128xf32, #tpu.memory_space<hbm>>) dst(%arg6 : memref<366x128xf32, #tpu.memory_space<vmem_shared>>)
        tpu.yield
      }) : () -> ()
    } else {
    }
    %barrier3A = arith.constant 0 : index
    tpu.barrier barrier_id(%barrier3A)
    %dma_wait3A = arith.constant 0 : i32
    %dma_wait3A_100 = tpu.memref_slice %arg8[%dma_wait3A] : memref<2048xi32, #tpu.memory_space<vmem>> -> memref<128xi32, #tpu.memory_space<vmem>>
    %dma_wait3A_101 = arith.constant 0 : i32
    %dma_wait3A_102 = tpu.memref_slice %arg7[%dma_wait3A_101] : memref<2048xi32, #tpu.memory_space<vmem>> -> memref<128xi32, #tpu.memory_space<vmem>>
    %dma_wait3A_103 = arith.constant 0 : i32
    %dma_wait3A_104 = tpu.memref_slice %arg2[%dma_wait3A_103] : memref<1572864xi32, #tpu.memory_space<hbm>> -> memref<1572864xi32, #tpu.memory_space<hbm>>
    tpu.wait_indirect_dma semaphore(%arg11 : memref<!tpu.dma_semaphore, #tpu.memory_space<semaphore_mem>>) src(%dma_wait3A_104 : memref<1572864xi32, #tpu.memory_space<hbm>>) dst(%dma_wait3A_100 : memref<128xi32, #tpu.memory_space<vmem>>)
    %dma_wait3A_105 = arith.constant 128 : i32
    %dma_wait3A_106 = tpu.memref_slice %arg8[%dma_wait3A_105] : memref<2048xi32, #tpu.memory_space<vmem>> -> memref<128xi32, #tpu.memory_space<vmem>>
    %dma_wait3A_107 = arith.constant 128 : i32
    %dma_wait3A_108 = tpu.memref_slice %arg7[%dma_wait3A_107] : memref<2048xi32, #tpu.memory_space<vmem>> -> memref<128xi32, #tpu.memory_space<vmem>>
    %dma_wait3A_109 = arith.constant 0 : i32
    %dma_wait3A_110 = tpu.memref_slice %arg2[%dma_wait3A_109] : memref<1572864xi32, #tpu.memory_space<hbm>> -> memref<1572864xi32, #tpu.memory_space<hbm>>
    tpu.wait_indirect_dma semaphore(%arg11 : memref<!tpu.dma_semaphore, #tpu.memory_space<semaphore_mem>>) src(%dma_wait3A_110 : memref<1572864xi32, #tpu.memory_space<hbm>>) dst(%dma_wait3A_106 : memref<128xi32, #tpu.memory_space<vmem>>)
    %dma_wait3A_111 = arith.constant 256 : i32
    %dma_wait3A_112 = tpu.memref_slice %arg8[%dma_wait3A_111] : memref<2048xi32, #tpu.memory_space<vmem>> -> memref<128xi32, #tpu.memory_space<vmem>>
    %dma_wait3A_113 = arith.constant 256 : i32
    %dma_wait3A_114 = tpu.memref_slice %arg7[%dma_wait3A_113] : memref<2048xi32, #tpu.memory_space<vmem>> -> memref<128xi32, #tpu.memory_space<vmem>>
    %dma_wait3A_115 = arith.constant 0 : i32
    %dma_wait3A_116 = tpu.memref_slice %arg2[%dma_wait3A_115] : memref<1572864xi32, #tpu.memory_space<hbm>> -> memref<1572864xi32, #tpu.memory_space<hbm>>
    tpu.wait_indirect_dma semaphore(%arg11 : memref<!tpu.dma_semaphore, #tpu.memory_space<semaphore_mem>>) src(%dma_wait3A_116 : memref<1572864xi32, #tpu.memory_space<hbm>>) dst(%dma_wait3A_112 : memref<128xi32, #tpu.memory_space<vmem>>)
    %dma_wait3A_117 = arith.constant 384 : i32
    %dma_wait3A_118 = tpu.memref_slice %arg8[%dma_wait3A_117] : memref<2048xi32, #tpu.memory_space<vmem>> -> memref<128xi32, #tpu.memory_space<vmem>>
    %dma_wait3A_119 = arith.constant 384 : i32
    %dma_wait3A_120 = tpu.memref_slice %arg7[%dma_wait3A_119] : memref<2048xi32, #tpu.memory_space<vmem>> -> memref<128xi32, #tpu.memory_space<vmem>>
    %dma_wait3A_121 = arith.constant 0 : i32
    %dma_wait3A_122 = tpu.memref_slice %arg2[%dma_wait3A_121] : memref<1572864xi32, #tpu.memory_space<hbm>> -> memref<1572864xi32, #tpu.memory_space<hbm>>
    tpu.wait_indirect_dma semaphore(%arg11 : memref<!tpu.dma_semaphore, #tpu.memory_space<semaphore_mem>>) src(%dma_wait3A_122 : memref<1572864xi32, #tpu.memory_space<hbm>>) dst(%dma_wait3A_118 : memref<128xi32, #tpu.memory_space<vmem>>)
    %dma_wait3A_123 = arith.constant 512 : i32
    %dma_wait3A_124 = tpu.memref_slice %arg8[%dma_wait3A_123] : memref<2048xi32, #tpu.memory_space<vmem>> -> memref<128xi32, #tpu.memory_space<vmem>>
    %dma_wait3A_125 = arith.constant 512 : i32
    %dma_wait3A_126 = tpu.memref_slice %arg7[%dma_wait3A_125] : memref<2048xi32, #tpu.memory_space<vmem>> -> memref<128xi32, #tpu.memory_space<vmem>>
    %dma_wait3A_127 = arith.constant 0 : i32
    %dma_wait3A_128 = tpu.memref_slice %arg2[%dma_wait3A_127] : memref<1572864xi32, #tpu.memory_space<hbm>> -> memref<1572864xi32, #tpu.memory_space<hbm>>
    tpu.wait_indirect_dma semaphore(%arg11 : memref<!tpu.dma_semaphore, #tpu.memory_space<semaphore_mem>>) src(%dma_wait3A_128 : memref<1572864xi32, #tpu.memory_space<hbm>>) dst(%dma_wait3A_124 : memref<128xi32, #tpu.memory_space<vmem>>)
    %dma_wait3A_129 = arith.constant 640 : i32
    %dma_wait3A_130 = tpu.memref_slice %arg8[%dma_wait3A_129] : memref<2048xi32, #tpu.memory_space<vmem>> -> memref<128xi32, #tpu.memory_space<vmem>>
    %dma_wait3A_131 = arith.constant 640 : i32
    %dma_wait3A_132 = tpu.memref_slice %arg7[%dma_wait3A_131] : memref<2048xi32, #tpu.memory_space<vmem>> -> memref<128xi32, #tpu.memory_space<vmem>>
    %dma_wait3A_133 = arith.constant 0 : i32
    %dma_wait3A_134 = tpu.memref_slice %arg2[%dma_wait3A_133] : memref<1572864xi32, #tpu.memory_space<hbm>> -> memref<1572864xi32, #tpu.memory_space<hbm>>
    tpu.wait_indirect_dma semaphore(%arg11 : memref<!tpu.dma_semaphore, #tpu.memory_space<semaphore_mem>>) src(%dma_wait3A_134 : memref<1572864xi32, #tpu.memory_space<hbm>>) dst(%dma_wait3A_130 : memref<128xi32, #tpu.memory_space<vmem>>)
    %dma_wait3A_135 = arith.constant 768 : i32
    %dma_wait3A_136 = tpu.memref_slice %arg8[%dma_wait3A_135] : memref<2048xi32, #tpu.memory_space<vmem>> -> memref<128xi32, #tpu.memory_space<vmem>>
    %dma_wait3A_137 = arith.constant 768 : i32
    %dma_wait3A_138 = tpu.memref_slice %arg7[%dma_wait3A_137] : memref<2048xi32, #tpu.memory_space<vmem>> -> memref<128xi32, #tpu.memory_space<vmem>>
    %dma_wait3A_139 = arith.constant 0 : i32
    %dma_wait3A_140 = tpu.memref_slice %arg2[%dma_wait3A_139] : memref<1572864xi32, #tpu.memory_space<hbm>> -> memref<1572864xi32, #tpu.memory_space<hbm>>
    tpu.wait_indirect_dma semaphore(%arg11 : memref<!tpu.dma_semaphore, #tpu.memory_space<semaphore_mem>>) src(%dma_wait3A_140 : memref<1572864xi32, #tpu.memory_space<hbm>>) dst(%dma_wait3A_136 : memref<128xi32, #tpu.memory_space<vmem>>)
    %dma_wait3A_141 = arith.constant 896 : i32
    %dma_wait3A_142 = tpu.memref_slice %arg8[%dma_wait3A_141] : memref<2048xi32, #tpu.memory_space<vmem>> -> memref<128xi32, #tpu.memory_space<vmem>>
    %dma_wait3A_143 = arith.constant 896 : i32
    %dma_wait3A_144 = tpu.memref_slice %arg7[%dma_wait3A_143] : memref<2048xi32, #tpu.memory_space<vmem>> -> memref<128xi32, #tpu.memory_space<vmem>>
    %dma_wait3A_145 = arith.constant 0 : i32
    %dma_wait3A_146 = tpu.memref_slice %arg2[%dma_wait3A_145] : memref<1572864xi32, #tpu.memory_space<hbm>> -> memref<1572864xi32, #tpu.memory_space<hbm>>
    tpu.wait_indirect_dma semaphore(%arg11 : memref<!tpu.dma_semaphore, #tpu.memory_space<semaphore_mem>>) src(%dma_wait3A_146 : memref<1572864xi32, #tpu.memory_space<hbm>>) dst(%dma_wait3A_142 : memref<128xi32, #tpu.memory_space<vmem>>)
    %dma_wait3A_147 = arith.constant 1024 : i32
    %dma_wait3A_148 = tpu.memref_slice %arg8[%dma_wait3A_147] : memref<2048xi32, #tpu.memory_space<vmem>> -> memref<128xi32, #tpu.memory_space<vmem>>
    %dma_wait3A_149 = arith.constant 1024 : i32
    %dma_wait3A_150 = tpu.memref_slice %arg7[%dma_wait3A_149] : memref<2048xi32, #tpu.memory_space<vmem>> -> memref<128xi32, #tpu.memory_space<vmem>>
    %dma_wait3A_151 = arith.constant 0 : i32
    %dma_wait3A_152 = tpu.memref_slice %arg2[%dma_wait3A_151] : memref<1572864xi32, #tpu.memory_space<hbm>> -> memref<1572864xi32, #tpu.memory_space<hbm>>
    tpu.wait_indirect_dma semaphore(%arg11 : memref<!tpu.dma_semaphore, #tpu.memory_space<semaphore_mem>>) src(%dma_wait3A_152 : memref<1572864xi32, #tpu.memory_space<hbm>>) dst(%dma_wait3A_148 : memref<128xi32, #tpu.memory_space<vmem>>)
    %dma_wait3A_153 = arith.constant 1152 : i32
    %dma_wait3A_154 = tpu.memref_slice %arg8[%dma_wait3A_153] : memref<2048xi32, #tpu.memory_space<vmem>> -> memref<128xi32, #tpu.memory_space<vmem>>
    %dma_wait3A_155 = arith.constant 1152 : i32
    %dma_wait3A_156 = tpu.memref_slice %arg7[%dma_wait3A_155] : memref<2048xi32, #tpu.memory_space<vmem>> -> memref<128xi32, #tpu.memory_space<vmem>>
    %dma_wait3A_157 = arith.constant 0 : i32
    %dma_wait3A_158 = tpu.memref_slice %arg2[%dma_wait3A_157] : memref<1572864xi32, #tpu.memory_space<hbm>> -> memref<1572864xi32, #tpu.memory_space<hbm>>
    tpu.wait_indirect_dma semaphore(%arg11 : memref<!tpu.dma_semaphore, #tpu.memory_space<semaphore_mem>>) src(%dma_wait3A_158 : memref<1572864xi32, #tpu.memory_space<hbm>>) dst(%dma_wait3A_154 : memref<128xi32, #tpu.memory_space<vmem>>)
    %dma_wait3A_159 = arith.constant 1280 : i32
    %dma_wait3A_160 = tpu.memref_slice %arg8[%dma_wait3A_159] : memref<2048xi32, #tpu.memory_space<vmem>> -> memref<128xi32, #tpu.memory_space<vmem>>
    %dma_wait3A_161 = arith.constant 1280 : i32
    %dma_wait3A_162 = tpu.memref_slice %arg7[%dma_wait3A_161] : memref<2048xi32, #tpu.memory_space<vmem>> -> memref<128xi32, #tpu.memory_space<vmem>>
    %dma_wait3A_163 = arith.constant 0 : i32
    %dma_wait3A_164 = tpu.memref_slice %arg2[%dma_wait3A_163] : memref<1572864xi32, #tpu.memory_space<hbm>> -> memref<1572864xi32, #tpu.memory_space<hbm>>
    tpu.wait_indirect_dma semaphore(%arg11 : memref<!tpu.dma_semaphore, #tpu.memory_space<semaphore_mem>>) src(%dma_wait3A_164 : memref<1572864xi32, #tpu.memory_space<hbm>>) dst(%dma_wait3A_160 : memref<128xi32, #tpu.memory_space<vmem>>)
    %dma_wait3A_165 = arith.constant 1408 : i32
    %dma_wait3A_166 = tpu.memref_slice %arg8[%dma_wait3A_165] : memref<2048xi32, #tpu.memory_space<vmem>> -> memref<128xi32, #tpu.memory_space<vmem>>
    %dma_wait3A_167 = arith.constant 1408 : i32
    %dma_wait3A_168 = tpu.memref_slice %arg7[%dma_wait3A_167] : memref<2048xi32, #tpu.memory_space<vmem>> -> memref<128xi32, #tpu.memory_space<vmem>>
    %dma_wait3A_169 = arith.constant 0 : i32
    %dma_wait3A_170 = tpu.memref_slice %arg2[%dma_wait3A_169] : memref<1572864xi32, #tpu.memory_space<hbm>> -> memref<1572864xi32, #tpu.memory_space<hbm>>
    tpu.wait_indirect_dma semaphore(%arg11 : memref<!tpu.dma_semaphore, #tpu.memory_space<semaphore_mem>>) src(%dma_wait3A_170 : memref<1572864xi32, #tpu.memory_space<hbm>>) dst(%dma_wait3A_166 : memref<128xi32, #tpu.memory_space<vmem>>)
    %dma_wait3A_171 = arith.constant 1536 : i32
    %dma_wait3A_172 = tpu.memref_slice %arg8[%dma_wait3A_171] : memref<2048xi32, #tpu.memory_space<vmem>> -> memref<128xi32, #tpu.memory_space<vmem>>
    %dma_wait3A_173 = arith.constant 1536 : i32
    %dma_wait3A_174 = tpu.memref_slice %arg7[%dma_wait3A_173] : memref<2048xi32, #tpu.memory_space<vmem>> -> memref<128xi32, #tpu.memory_space<vmem>>
    %dma_wait3A_175 = arith.constant 0 : i32
    %dma_wait3A_176 = tpu.memref_slice %arg2[%dma_wait3A_175] : memref<1572864xi32, #tpu.memory_space<hbm>> -> memref<1572864xi32, #tpu.memory_space<hbm>>
    tpu.wait_indirect_dma semaphore(%arg11 : memref<!tpu.dma_semaphore, #tpu.memory_space<semaphore_mem>>) src(%dma_wait3A_176 : memref<1572864xi32, #tpu.memory_space<hbm>>) dst(%dma_wait3A_172 : memref<128xi32, #tpu.memory_space<vmem>>)
    %dma_wait3A_177 = arith.constant 1664 : i32
    %dma_wait3A_178 = tpu.memref_slice %arg8[%dma_wait3A_177] : memref<2048xi32, #tpu.memory_space<vmem>> -> memref<128xi32, #tpu.memory_space<vmem>>
    %dma_wait3A_179 = arith.constant 1664 : i32
    %dma_wait3A_180 = tpu.memref_slice %arg7[%dma_wait3A_179] : memref<2048xi32, #tpu.memory_space<vmem>> -> memref<128xi32, #tpu.memory_space<vmem>>
    %dma_wait3A_181 = arith.constant 0 : i32
    %dma_wait3A_182 = tpu.memref_slice %arg2[%dma_wait3A_181] : memref<1572864xi32, #tpu.memory_space<hbm>> -> memref<1572864xi32, #tpu.memory_space<hbm>>
    tpu.wait_indirect_dma semaphore(%arg11 : memref<!tpu.dma_semaphore, #tpu.memory_space<semaphore_mem>>) src(%dma_wait3A_182 : memref<1572864xi32, #tpu.memory_space<hbm>>) dst(%dma_wait3A_178 : memref<128xi32, #tpu.memory_space<vmem>>)
    %dma_wait3A_183 = arith.constant 1792 : i32
    %dma_wait3A_184 = tpu.memref_slice %arg8[%dma_wait3A_183] : memref<2048xi32, #tpu.memory_space<vmem>> -> memref<128xi32, #tpu.memory_space<vmem>>
    %dma_wait3A_185 = arith.constant 1792 : i32
    %dma_wait3A_186 = tpu.memref_slice %arg7[%dma_wait3A_185] : memref<2048xi32, #tpu.memory_space<vmem>> -> memref<128xi32, #tpu.memory_space<vmem>>
    %dma_wait3A_187 = arith.constant 0 : i32
    %dma_wait3A_188 = tpu.memref_slice %arg2[%dma_wait3A_187] : memref<1572864xi32, #tpu.memory_space<hbm>> -> memref<1572864xi32, #tpu.memory_space<hbm>>
    tpu.wait_indirect_dma semaphore(%arg11 : memref<!tpu.dma_semaphore, #tpu.memory_space<semaphore_mem>>) src(%dma_wait3A_188 : memref<1572864xi32, #tpu.memory_space<hbm>>) dst(%dma_wait3A_184 : memref<128xi32, #tpu.memory_space<vmem>>)
    %dma_wait3A_189 = arith.constant 1920 : i32
    %dma_wait3A_190 = tpu.memref_slice %arg8[%dma_wait3A_189] : memref<2048xi32, #tpu.memory_space<vmem>> -> memref<128xi32, #tpu.memory_space<vmem>>
    %dma_wait3A_191 = arith.constant 1920 : i32
    %dma_wait3A_192 = tpu.memref_slice %arg7[%dma_wait3A_191] : memref<2048xi32, #tpu.memory_space<vmem>> -> memref<128xi32, #tpu.memory_space<vmem>>
    %dma_wait3A_193 = arith.constant 0 : i32
    %dma_wait3A_194 = tpu.memref_slice %arg2[%dma_wait3A_193] : memref<1572864xi32, #tpu.memory_space<hbm>> -> memref<1572864xi32, #tpu.memory_space<hbm>>
    tpu.wait_indirect_dma semaphore(%arg11 : memref<!tpu.dma_semaphore, #tpu.memory_space<semaphore_mem>>) src(%dma_wait3A_194 : memref<1572864xi32, #tpu.memory_space<hbm>>) dst(%dma_wait3A_190 : memref<128xi32, #tpu.memory_space<vmem>>)
    %run_scoped3A_195 = arith.constant 0 : i32
    "tpu.region"() ({
      %run_scoped3A_259 = tpu.sem_alloc : memref<!tpu.dma_semaphore, #tpu.memory_space<semaphore_mem>>
      %dma_start3A_260 = arith.constant 0 : i32
      %dma_start3A_261 = arith.constant 0 : i32
      %dma_start3A_262 = tpu.memref_slice %arg9[%run_scoped3A_195, %dma_start3A_260, %dma_start3A_261] : memref<2x256x128xf32, #tpu.memory_space<vmem>> -> memref<1x128x128xf32, #tpu.memory_space<vmem>>
      %dma_start3A_263 = tpu.memref_squeeze %dma_start3A_262 : memref<1x128x128xf32, #tpu.memory_space<vmem>> -> memref<128x128xf32, #tpu.memory_space<vmem>>
      %dma_start3A_264 = arith.constant 0 : i32
      %dma_start3A_265 = tpu.memref_slice %arg8[%dma_start3A_264] : memref<2048xi32, #tpu.memory_space<vmem>> -> memref<128xi32, #tpu.memory_space<vmem>>
      %dma_start3A_266 = arith.constant 0 : i32
      %dma_start3A_267 = arith.constant 0 : i32
      %dma_start3A_268 = tpu.memref_slice %arg6[%dma_start3A_266, %dma_start3A_267] : memref<366x128xf32, #tpu.memory_space<vmem_shared>> -> memref<366x128xf32, #tpu.memory_space<vmem_shared>>
      tpu.enqueue_indirect_dma source(%dma_start3A_268 : memref<366x128xf32, #tpu.memory_space<vmem_shared>>) target(%dma_start3A_263 : memref<128x128xf32, #tpu.memory_space<vmem>>) offsets(%dma_start3A_265 : memref<128xi32, #tpu.memory_space<vmem>>) semaphore(%run_scoped3A_259 : memref<!tpu.dma_semaphore, #tpu.memory_space<semaphore_mem>>)
      %dma_wait3A_269 = arith.constant 0 : i32
      %dma_wait3A_270 = arith.constant 0 : i32
      %dma_wait3A_271 = tpu.memref_slice %arg9[%run_scoped3A_195, %dma_wait3A_269, %dma_wait3A_270] : memref<2x256x128xf32, #tpu.memory_space<vmem>> -> memref<1x128x128xf32, #tpu.memory_space<vmem>>
      %dma_wait3A_272 = tpu.memref_squeeze %dma_wait3A_271 : memref<1x128x128xf32, #tpu.memory_space<vmem>> -> memref<128x128xf32, #tpu.memory_space<vmem>>
      %dma_wait3A_273 = arith.constant 0 : i32
      %dma_wait3A_274 = tpu.memref_slice %arg8[%dma_wait3A_273] : memref<2048xi32, #tpu.memory_space<vmem>> -> memref<128xi32, #tpu.memory_space<vmem>>
      %dma_wait3A_275 = arith.constant 0 : i32
      %dma_wait3A_276 = arith.constant 0 : i32
      %dma_wait3A_277 = tpu.memref_slice %arg6[%dma_wait3A_275, %dma_wait3A_276] : memref<366x128xf32, #tpu.memory_space<vmem_shared>> -> memref<366x128xf32, #tpu.memory_space<vmem_shared>>
      tpu.wait_indirect_dma semaphore(%run_scoped3A_259 : memref<!tpu.dma_semaphore, #tpu.memory_space<semaphore_mem>>) src(%dma_wait3A_277 : memref<366x128xf32, #tpu.memory_space<vmem_shared>>) dst(%dma_wait3A_272 : memref<128x128xf32, #tpu.memory_space<vmem>>)
      tpu.yield
    }) : () -> ()
    %run_scoped3A_196 = arith.constant 0 : i32
    "tpu.region"() ({
      %run_scoped3A_259 = tpu.sem_alloc : memref<!tpu.dma_semaphore, #tpu.memory_space<semaphore_mem>>
      %dma_start3A_260 = arith.constant 128 : i32
      %dma_start3A_261 = arith.constant 0 : i32
      %dma_start3A_262 = tpu.memref_slice %arg9[%run_scoped3A_196, %dma_start3A_260, %dma_start3A_261] : memref<2x256x128xf32, #tpu.memory_space<vmem>> -> memref<1x128x128xf32, #tpu.memory_space<vmem>>
      %dma_start3A_263 = tpu.memref_squeeze %dma_start3A_262 : memref<1x128x128xf32, #tpu.memory_space<vmem>> -> memref<128x128xf32, #tpu.memory_space<vmem>>
      %dma_start3A_264 = arith.constant 128 : i32
      %dma_start3A_265 = tpu.memref_slice %arg8[%dma_start3A_264] : memref<2048xi32, #tpu.memory_space<vmem>> -> memref<128xi32, #tpu.memory_space<vmem>>
      %dma_start3A_266 = arith.constant 0 : i32
      %dma_start3A_267 = arith.constant 0 : i32
      %dma_start3A_268 = tpu.memref_slice %arg6[%dma_start3A_266, %dma_start3A_267] : memref<366x128xf32, #tpu.memory_space<vmem_shared>> -> memref<366x128xf32, #tpu.memory_space<vmem_shared>>
      tpu.enqueue_indirect_dma source(%dma_start3A_268 : memref<366x128xf32, #tpu.memory_space<vmem_shared>>) target(%dma_start3A_263 : memref<128x128xf32, #tpu.memory_space<vmem>>) offsets(%dma_start3A_265 : memref<128xi32, #tpu.memory_space<vmem>>) semaphore(%run_scoped3A_259 : memref<!tpu.dma_semaphore, #tpu.memory_space<semaphore_mem>>)
      %dma_wait3A_269 = arith.constant 128 : i32
      %dma_wait3A_270 = arith.constant 0 : i32
      %dma_wait3A_271 = tpu.memref_slice %arg9[%run_scoped3A_196, %dma_wait3A_269, %dma_wait3A_270] : memref<2x256x128xf32, #tpu.memory_space<vmem>> -> memref<1x128x128xf32, #tpu.memory_space<vmem>>
      %dma_wait3A_272 = tpu.memref_squeeze %dma_wait3A_271 : memref<1x128x128xf32, #tpu.memory_space<vmem>> -> memref<128x128xf32, #tpu.memory_space<vmem>>
      %dma_wait3A_273 = arith.constant 128 : i32
      %dma_wait3A_274 = tpu.memref_slice %arg8[%dma_wait3A_273] : memref<2048xi32, #tpu.memory_space<vmem>> -> memref<128xi32, #tpu.memory_space<vmem>>
      %dma_wait3A_275 = arith.constant 0 : i32
      %dma_wait3A_276 = arith.constant 0 : i32
      %dma_wait3A_277 = tpu.memref_slice %arg6[%dma_wait3A_275, %dma_wait3A_276] : memref<366x128xf32, #tpu.memory_space<vmem_shared>> -> memref<366x128xf32, #tpu.memory_space<vmem_shared>>
      tpu.wait_indirect_dma semaphore(%run_scoped3A_259 : memref<!tpu.dma_semaphore, #tpu.memory_space<semaphore_mem>>) src(%dma_wait3A_277 : memref<366x128xf32, #tpu.memory_space<vmem_shared>>) dst(%dma_wait3A_272 : memref<128x128xf32, #tpu.memory_space<vmem>>)
      tpu.yield
    }) : () -> ()
    %add3A_197 = arith.constant 0 : i32
    %add3A_198 = arith.addi %mul3A_2, %add3A_197 : i32
    %dma_start3A_199 = arith.constant 0 : i32
    %dma_start3A_200 = arith.constant 0 : i32
    %dma_start3A_201 = arith.constant 0 : i32
    %dma_start3A_202 = tpu.memref_slice %arg9[%dma_start3A_199, %dma_start3A_200, %dma_start3A_201] : memref<2x256x128xf32, #tpu.memory_space<vmem>> -> memref<1x256x128xf32, #tpu.memory_space<vmem>>
    %dma_start3A_203 = tpu.memref_squeeze %dma_start3A_202 : memref<1x256x128xf32, #tpu.memory_space<vmem>> -> memref<256x128xf32, #tpu.memory_space<vmem>>
    %dma_start3A_204 = arith.constant 0 : i32
    %dma_start3A_205 = tpu.memref_slice %arg5[%add3A_198, %dma_start3A_204] : memref<65536x128xf32, #tpu.memory_space<hbm>> -> memref<256x128xf32, #tpu.memory_space<hbm>>
    %dma_start3A_206 = arith.constant 0 : i32
    %dma_start3A_207 = tpu.memref_slice %arg5[%add3A_198, %dma_start3A_206] : memref<65536x128xf32, #tpu.memory_space<hbm>> -> memref<256x128xf32, #tpu.memory_space<hbm>>
    %dma_start3A_208 = arith.constant 0 : i32
    %dma_start3A_209 = arith.constant 0 : i32
    %dma_start3A_210 = tpu.memref_slice %arg9[%dma_start3A_199, %dma_start3A_208, %dma_start3A_209] : memref<2x256x128xf32, #tpu.memory_space<vmem>> -> memref<1x256x128xf32, #tpu.memory_space<vmem>>
    %dma_start3A_211 = tpu.memref_squeeze %dma_start3A_210 : memref<1x256x128xf32, #tpu.memory_space<vmem>> -> memref<256x128xf32, #tpu.memory_space<vmem>>
    tpu.enqueue_dma source(%dma_start3A_211 : memref<256x128xf32, #tpu.memory_space<vmem>>) target(%dma_start3A_207 : memref<256x128xf32, #tpu.memory_space<hbm>>) target_semaphore(%arg10 : memref<!tpu.dma_semaphore, #tpu.memory_space<semaphore_mem>>)
    %run_scoped3A_212 = arith.constant 1 : i32
    "tpu.region"() ({
      %run_scoped3A_259 = tpu.sem_alloc : memref<!tpu.dma_semaphore, #tpu.memory_space<semaphore_mem>>
      %dma_start3A_260 = arith.constant 0 : i32
      %dma_start3A_261 = arith.constant 0 : i32
      %dma_start3A_262 = tpu.memref_slice %arg9[%run_scoped3A_212, %dma_start3A_260, %dma_start3A_261] : memref<2x256x128xf32, #tpu.memory_space<vmem>> -> memref<1x128x128xf32, #tpu.memory_space<vmem>>
      %dma_start3A_263 = tpu.memref_squeeze %dma_start3A_262 : memref<1x128x128xf32, #tpu.memory_space<vmem>> -> memref<128x128xf32, #tpu.memory_space<vmem>>
      %dma_start3A_264 = arith.constant 256 : i32
      %dma_start3A_265 = tpu.memref_slice %arg8[%dma_start3A_264] : memref<2048xi32, #tpu.memory_space<vmem>> -> memref<128xi32, #tpu.memory_space<vmem>>
      %dma_start3A_266 = arith.constant 0 : i32
      %dma_start3A_267 = arith.constant 0 : i32
      %dma_start3A_268 = tpu.memref_slice %arg6[%dma_start3A_266, %dma_start3A_267] : memref<366x128xf32, #tpu.memory_space<vmem_shared>> -> memref<366x128xf32, #tpu.memory_space<vmem_shared>>
      tpu.enqueue_indirect_dma source(%dma_start3A_268 : memref<366x128xf32, #tpu.memory_space<vmem_shared>>) target(%dma_start3A_263 : memref<128x128xf32, #tpu.memory_space<vmem>>) offsets(%dma_start3A_265 : memref<128xi32, #tpu.memory_space<vmem>>) semaphore(%run_scoped3A_259 : memref<!tpu.dma_semaphore, #tpu.memory_space<semaphore_mem>>)
      %dma_wait3A_269 = arith.constant 0 : i32
      %dma_wait3A_270 = arith.constant 0 : i32
      %dma_wait3A_271 = tpu.memref_slice %arg9[%run_scoped3A_212, %dma_wait3A_269, %dma_wait3A_270] : memref<2x256x128xf32, #tpu.memory_space<vmem>> -> memref<1x128x128xf32, #tpu.memory_space<vmem>>
      %dma_wait3A_272 = tpu.memref_squeeze %dma_wait3A_271 : memref<1x128x128xf32, #tpu.memory_space<vmem>> -> memref<128x128xf32, #tpu.memory_space<vmem>>
      %dma_wait3A_273 = arith.constant 256 : i32
      %dma_wait3A_274 = tpu.memref_slice %arg8[%dma_wait3A_273] : memref<2048xi32, #tpu.memory_space<vmem>> -> memref<128xi32, #tpu.memory_space<vmem>>
      %dma_wait3A_275 = arith.constant 0 : i32
      %dma_wait3A_276 = arith.constant 0 : i32
      %dma_wait3A_277 = tpu.memref_slice %arg6[%dma_wait3A_275, %dma_wait3A_276] : memref<366x128xf32, #tpu.memory_space<vmem_shared>> -> memref<366x128xf32, #tpu.memory_space<vmem_shared>>
      tpu.wait_indirect_dma semaphore(%run_scoped3A_259 : memref<!tpu.dma_semaphore, #tpu.memory_space<semaphore_mem>>) src(%dma_wait3A_277 : memref<366x128xf32, #tpu.memory_space<vmem_shared>>) dst(%dma_wait3A_272 : memref<128x128xf32, #tpu.memory_space<vmem>>)
      tpu.yield
    }) : () -> ()
    %run_scoped3A_213 = arith.constant 1 : i32
    "tpu.region"() ({
      %run_scoped3A_259 = tpu.sem_alloc : memref<!tpu.dma_semaphore, #tpu.memory_space<semaphore_mem>>
      %dma_start3A_260 = arith.constant 128 : i32
      %dma_start3A_261 = arith.constant 0 : i32
      %dma_start3A_262 = tpu.memref_slice %arg9[%run_scoped3A_213, %dma_start3A_260, %dma_start3A_261] : memref<2x256x128xf32, #tpu.memory_space<vmem>> -> memref<1x128x128xf32, #tpu.memory_space<vmem>>
      %dma_start3A_263 = tpu.memref_squeeze %dma_start3A_262 : memref<1x128x128xf32, #tpu.memory_space<vmem>> -> memref<128x128xf32, #tpu.memory_space<vmem>>
      %dma_start3A_264 = arith.constant 384 : i32
      %dma_start3A_265 = tpu.memref_slice %arg8[%dma_start3A_264] : memref<2048xi32, #tpu.memory_space<vmem>> -> memref<128xi32, #tpu.memory_space<vmem>>
      %dma_start3A_266 = arith.constant 0 : i32
      %dma_start3A_267 = arith.constant 0 : i32
      %dma_start3A_268 = tpu.memref_slice %arg6[%dma_start3A_266, %dma_start3A_267] : memref<366x128xf32, #tpu.memory_space<vmem_shared>> -> memref<366x128xf32, #tpu.memory_space<vmem_shared>>
      tpu.enqueue_indirect_dma source(%dma_start3A_268 : memref<366x128xf32, #tpu.memory_space<vmem_shared>>) target(%dma_start3A_263 : memref<128x128xf32, #tpu.memory_space<vmem>>) offsets(%dma_start3A_265 : memref<128xi32, #tpu.memory_space<vmem>>) semaphore(%run_scoped3A_259 : memref<!tpu.dma_semaphore, #tpu.memory_space<semaphore_mem>>)
      %dma_wait3A_269 = arith.constant 128 : i32
      %dma_wait3A_270 = arith.constant 0 : i32
      %dma_wait3A_271 = tpu.memref_slice %arg9[%run_scoped3A_213, %dma_wait3A_269, %dma_wait3A_270] : memref<2x256x128xf32, #tpu.memory_space<vmem>> -> memref<1x128x128xf32, #tpu.memory_space<vmem>>
      %dma_wait3A_272 = tpu.memref_squeeze %dma_wait3A_271 : memref<1x128x128xf32, #tpu.memory_space<vmem>> -> memref<128x128xf32, #tpu.memory_space<vmem>>
      %dma_wait3A_273 = arith.constant 384 : i32
      %dma_wait3A_274 = tpu.memref_slice %arg8[%dma_wait3A_273] : memref<2048xi32, #tpu.memory_space<vmem>> -> memref<128xi32, #tpu.memory_space<vmem>>
      %dma_wait3A_275 = arith.constant 0 : i32
      %dma_wait3A_276 = arith.constant 0 : i32
      %dma_wait3A_277 = tpu.memref_slice %arg6[%dma_wait3A_275, %dma_wait3A_276] : memref<366x128xf32, #tpu.memory_space<vmem_shared>> -> memref<366x128xf32, #tpu.memory_space<vmem_shared>>
      tpu.wait_indirect_dma semaphore(%run_scoped3A_259 : memref<!tpu.dma_semaphore, #tpu.memory_space<semaphore_mem>>) src(%dma_wait3A_277 : memref<366x128xf32, #tpu.memory_space<vmem_shared>>) dst(%dma_wait3A_272 : memref<128x128xf32, #tpu.memory_space<vmem>>)
      tpu.yield
    }) : () -> ()
    %add3A_214 = arith.constant 256 : i32
    %add3A_215 = arith.addi %mul3A_2, %add3A_214 : i32
    %dma_start3A_216 = arith.constant 1 : i32
    %dma_start3A_217 = arith.constant 0 : i32
    %dma_start3A_218 = arith.constant 0 : i32
    %dma_start3A_219 = tpu.memref_slice %arg9[%dma_start3A_216, %dma_start3A_217, %dma_start3A_218] : memref<2x256x128xf32, #tpu.memory_space<vmem>> -> memref<1x256x128xf32, #tpu.memory_space<vmem>>
    %dma_start3A_220 = tpu.memref_squeeze %dma_start3A_219 : memref<1x256x128xf32, #tpu.memory_space<vmem>> -> memref<256x128xf32, #tpu.memory_space<vmem>>
    %dma_start3A_221 = arith.constant 0 : i32
    %dma_start3A_222 = tpu.memref_slice %arg5[%add3A_215, %dma_start3A_221] : memref<65536x128xf32, #tpu.memory_space<hbm>> -> memref<256x128xf32, #tpu.memory_space<hbm>>
    %dma_start3A_223 = arith.constant 0 : i32
    %dma_start3A_224 = tpu.memref_slice %arg5[%add3A_215, %dma_start3A_223] : memref<65536x128xf32, #tpu.memory_space<hbm>> -> memref<256x128xf32, #tpu.memory_space<hbm>>
    %dma_start3A_225 = arith.constant 0 : i32
    %dma_start3A_226 = arith.constant 0 : i32
    %dma_start3A_227 = tpu.memref_slice %arg9[%dma_start3A_216, %dma_start3A_225, %dma_start3A_226] : memref<2x256x128xf32, #tpu.memory_space<vmem>> -> memref<1x256x128xf32, #tpu.memory_space<vmem>>
    %dma_start3A_228 = tpu.memref_squeeze %dma_start3A_227 : memref<1x256x128xf32, #tpu.memory_space<vmem>> -> memref<256x128xf32, #tpu.memory_space<vmem>>
    tpu.enqueue_dma source(%dma_start3A_228 : memref<256x128xf32, #tpu.memory_space<vmem>>) target(%dma_start3A_224 : memref<256x128xf32, #tpu.memory_space<hbm>>) target_semaphore(%arg11 : memref<!tpu.dma_semaphore, #tpu.memory_space<semaphore_mem>>)
    %scan3A = arith.constant 0 : i32
    %scan3A_229 = arith.constant 3 : i32
    %scan3A_230 = arith.addi %scan3A, %scan3A_229 : i32
    %scan3A_231 = arith.constant 1 : i32
    scf.for %scan3A_259 = %scan3A to %scan3A_230 step %scan3A_231  : i32 {
      %mul3A_260 = arith.constant 2 : i32
      %mul3A_261 = arith.muli %scan3A_259, %mul3A_260 : i32
      %add3A_262 = arith.constant 2 : i32
      %add3A_263 = arith.addi %add3A_262, %mul3A_261 : i32
      %dma_wait3A_264 = arith.constant 0 : i32
      %dma_wait3A_265 = arith.constant 0 : i32
      %dma_wait3A_266 = arith.constant 0 : i32
      %dma_wait3A_267 = tpu.memref_slice %arg9[%dma_wait3A_264, %dma_wait3A_265, %dma_wait3A_266] : memref<2x256x128xf32, #tpu.memory_space<vmem>> -> memref<1x256x128xf32, #tpu.memory_space<vmem>>
      %dma_wait3A_268 = tpu.memref_squeeze %dma_wait3A_267 : memref<1x256x128xf32, #tpu.memory_space<vmem>> -> memref<256x128xf32, #tpu.memory_space<vmem>>
      %dma_wait3A_269 = arith.constant 0 : i32
      %dma_wait3A_270 = tpu.memref_slice %arg5[%mul3A_2, %dma_wait3A_269] : memref<65536x128xf32, #tpu.memory_space<hbm>> -> memref<256x128xf32, #tpu.memory_space<hbm>>
      %dma_wait3A_271 = arith.constant 0 : i32
      %dma_wait3A_272 = tpu.memref_slice %arg5[%mul3A_2, %dma_wait3A_271] : memref<65536x128xf32, #tpu.memory_space<hbm>> -> memref<256x128xf32, #tpu.memory_space<hbm>>
      %dma_wait3A_273 = arith.constant 0 : i32
      %dma_wait3A_274 = arith.constant 0 : i32
      %dma_wait3A_275 = tpu.memref_slice %arg9[%dma_wait3A_264, %dma_wait3A_273, %dma_wait3A_274] : memref<2x256x128xf32, #tpu.memory_space<vmem>> -> memref<1x256x128xf32, #tpu.memory_space<vmem>>
      %dma_wait3A_276 = tpu.memref_squeeze %dma_wait3A_275 : memref<1x256x128xf32, #tpu.memory_space<vmem>> -> memref<256x128xf32, #tpu.memory_space<vmem>>
      tpu.wait_dma2 semaphore(%arg10 : memref<!tpu.dma_semaphore, #tpu.memory_space<semaphore_mem>>) src(%dma_wait3A_276 : memref<256x128xf32, #tpu.memory_space<vmem>>) dst(%dma_wait3A_272 : memref<256x128xf32, #tpu.memory_space<hbm>>)
      %add3A_277 = arith.constant 0 : i32
      %add3A_278 = arith.addi %add3A_263, %add3A_277 : i32
      %mul3A_279 = arith.constant 2 : i32
      %mul3A_280 = arith.muli %mul3A_279, %add3A_278 : i32
      %add3A_281 = arith.constant 0 : i32
      %add3A_282 = arith.addi %mul3A_280, %add3A_281 : i32
      %mul3A_283 = arith.constant 128 : i32
      %mul3A_284 = arith.muli %add3A_282, %mul3A_283 : i32
      %run_scoped3A_285 = arith.constant 0 : i32
      "tpu.region"() ({
        %run_scoped3A_354 = tpu.sem_alloc : memref<!tpu.dma_semaphore, #tpu.memory_space<semaphore_mem>>
        %dma_start3A_355 = arith.constant 0 : i32
        %dma_start3A_356 = arith.constant 0 : i32
        %dma_start3A_357 = tpu.memref_slice %arg9[%run_scoped3A_285, %dma_start3A_355, %dma_start3A_356] : memref<2x256x128xf32, #tpu.memory_space<vmem>> -> memref<1x128x128xf32, #tpu.memory_space<vmem>>
        %dma_start3A_358 = tpu.memref_squeeze %dma_start3A_357 : memref<1x128x128xf32, #tpu.memory_space<vmem>> -> memref<128x128xf32, #tpu.memory_space<vmem>>
        %dma_start3A_359 = tpu.memref_slice %arg8[%mul3A_284] : memref<2048xi32, #tpu.memory_space<vmem>> -> memref<128xi32, #tpu.memory_space<vmem>>
        %dma_start3A_360 = arith.constant 0 : i32
        %dma_start3A_361 = arith.constant 0 : i32
        %dma_start3A_362 = tpu.memref_slice %arg6[%dma_start3A_360, %dma_start3A_361] : memref<366x128xf32, #tpu.memory_space<vmem_shared>> -> memref<366x128xf32, #tpu.memory_space<vmem_shared>>
        tpu.enqueue_indirect_dma source(%dma_start3A_362 : memref<366x128xf32, #tpu.memory_space<vmem_shared>>) target(%dma_start3A_358 : memref<128x128xf32, #tpu.memory_space<vmem>>) offsets(%dma_start3A_359 : memref<128xi32, #tpu.memory_space<vmem>>) semaphore(%run_scoped3A_354 : memref<!tpu.dma_semaphore, #tpu.memory_space<semaphore_mem>>)
        %dma_wait3A_363 = arith.constant 0 : i32
        %dma_wait3A_364 = arith.constant 0 : i32
        %dma_wait3A_365 = tpu.memref_slice %arg9[%run_scoped3A_285, %dma_wait3A_363, %dma_wait3A_364] : memref<2x256x128xf32, #tpu.memory_space<vmem>> -> memref<1x128x128xf32, #tpu.memory_space<vmem>>
        %dma_wait3A_366 = tpu.memref_squeeze %dma_wait3A_365 : memref<1x128x128xf32, #tpu.memory_space<vmem>> -> memref<128x128xf32, #tpu.memory_space<vmem>>
        %dma_wait3A_367 = tpu.memref_slice %arg8[%mul3A_284] : memref<2048xi32, #tpu.memory_space<vmem>> -> memref<128xi32, #tpu.memory_space<vmem>>
        %dma_wait3A_368 = arith.constant 0 : i32
        %dma_wait3A_369 = arith.constant 0 : i32
        %dma_wait3A_370 = tpu.memref_slice %arg6[%dma_wait3A_368, %dma_wait3A_369] : memref<366x128xf32, #tpu.memory_space<vmem_shared>> -> memref<366x128xf32, #tpu.memory_space<vmem_shared>>
        tpu.wait_indirect_dma semaphore(%run_scoped3A_354 : memref<!tpu.dma_semaphore, #tpu.memory_space<semaphore_mem>>) src(%dma_wait3A_370 : memref<366x128xf32, #tpu.memory_space<vmem_shared>>) dst(%dma_wait3A_366 : memref<128x128xf32, #tpu.memory_space<vmem>>)
        tpu.yield
      }) : () -> ()
      %mul3A_286 = arith.constant 2 : i32
      %mul3A_287 = arith.muli %mul3A_286, %add3A_278 : i32
      %add3A_288 = arith.constant 1 : i32
      %add3A_289 = arith.addi %mul3A_287, %add3A_288 : i32
      %mul3A_290 = arith.constant 128 : i32
      %mul3A_291 = arith.muli %add3A_289, %mul3A_290 : i32
      %run_scoped3A_292 = arith.constant 0 : i32
      "tpu.region"() ({
        %run_scoped3A_354 = tpu.sem_alloc : memref<!tpu.dma_semaphore, #tpu.memory_space<semaphore_mem>>
        %dma_start3A_355 = arith.constant 128 : i32
        %dma_start3A_356 = arith.constant 0 : i32
        %dma_start3A_357 = tpu.memref_slice %arg9[%run_scoped3A_292, %dma_start3A_355, %dma_start3A_356] : memref<2x256x128xf32, #tpu.memory_space<vmem>> -> memref<1x128x128xf32, #tpu.memory_space<vmem>>
        %dma_start3A_358 = tpu.memref_squeeze %dma_start3A_357 : memref<1x128x128xf32, #tpu.memory_space<vmem>> -> memref<128x128xf32, #tpu.memory_space<vmem>>
        %dma_start3A_359 = tpu.memref_slice %arg8[%mul3A_291] : memref<2048xi32, #tpu.memory_space<vmem>> -> memref<128xi32, #tpu.memory_space<vmem>>
        %dma_start3A_360 = arith.constant 0 : i32
        %dma_start3A_361 = arith.constant 0 : i32
        %dma_start3A_362 = tpu.memref_slice %arg6[%dma_start3A_360, %dma_start3A_361] : memref<366x128xf32, #tpu.memory_space<vmem_shared>> -> memref<366x128xf32, #tpu.memory_space<vmem_shared>>
        tpu.enqueue_indirect_dma source(%dma_start3A_362 : memref<366x128xf32, #tpu.memory_space<vmem_shared>>) target(%dma_start3A_358 : memref<128x128xf32, #tpu.memory_space<vmem>>) offsets(%dma_start3A_359 : memref<128xi32, #tpu.memory_space<vmem>>) semaphore(%run_scoped3A_354 : memref<!tpu.dma_semaphore, #tpu.memory_space<semaphore_mem>>)
        %dma_wait3A_363 = arith.constant 128 : i32
        %dma_wait3A_364 = arith.constant 0 : i32
        %dma_wait3A_365 = tpu.memref_slice %arg9[%run_scoped3A_292, %dma_wait3A_363, %dma_wait3A_364] : memref<2x256x128xf32, #tpu.memory_space<vmem>> -> memref<1x128x128xf32, #tpu.memory_space<vmem>>
        %dma_wait3A_366 = tpu.memref_squeeze %dma_wait3A_365 : memref<1x128x128xf32, #tpu.memory_space<vmem>> -> memref<128x128xf32, #tpu.memory_space<vmem>>
        %dma_wait3A_367 = tpu.memref_slice %arg8[%mul3A_291] : memref<2048xi32, #tpu.memory_space<vmem>> -> memref<128xi32, #tpu.memory_space<vmem>>
        %dma_wait3A_368 = arith.constant 0 : i32
        %dma_wait3A_369 = arith.constant 0 : i32
        %dma_wait3A_370 = tpu.memref_slice %arg6[%dma_wait3A_368, %dma_wait3A_369] : memref<366x128xf32, #tpu.memory_space<vmem_shared>> -> memref<366x128xf32, #tpu.memory_space<vmem_shared>>
        tpu.wait_indirect_dma semaphore(%run_scoped3A_354 : memref<!tpu.dma_semaphore, #tpu.memory_space<semaphore_mem>>) src(%dma_wait3A_370 : memref<366x128xf32, #tpu.memory_space<vmem_shared>>) dst(%dma_wait3A_366 : memref<128x128xf32, #tpu.memory_space<vmem>>)
        tpu.yield
      }) : () -> ()
      %mul3A_293 = arith.constant 256 : i32
      %mul3A_294 = arith.muli %add3A_278, %mul3A_293 : i32
      %add3A_295 = arith.addi %mul3A_2, %mul3A_294 : i32
      %dma_start3A_296 = arith.constant 0 : i32
      %dma_start3A_297 = arith.constant 0 : i32
      %dma_start3A_298 = arith.constant 0 : i32
      %dma_start3A_299 = tpu.memref_slice %arg9[%dma_start3A_296, %dma_start3A_297, %dma_start3A_298] : memref<2x256x128xf32, #tpu.memory_space<vmem>> -> memref<1x256x128xf32, #tpu.memory_space<vmem>>
      %dma_start3A_300 = tpu.memref_squeeze %dma_start3A_299 : memref<1x256x128xf32, #tpu.memory_space<vmem>> -> memref<256x128xf32, #tpu.memory_space<vmem>>
      %dma_start3A_301 = arith.constant 0 : i32
      %dma_start3A_302 = tpu.memref_slice %arg5[%add3A_295, %dma_start3A_301] : memref<65536x128xf32, #tpu.memory_space<hbm>> -> memref<256x128xf32, #tpu.memory_space<hbm>>
      %dma_start3A_303 = arith.constant 0 : i32
      %dma_start3A_304 = tpu.memref_slice %arg5[%add3A_295, %dma_start3A_303] : memref<65536x128xf32, #tpu.memory_space<hbm>> -> memref<256x128xf32, #tpu.memory_space<hbm>>
      %dma_start3A_305 = arith.constant 0 : i32
      %dma_start3A_306 = arith.constant 0 : i32
      %dma_start3A_307 = tpu.memref_slice %arg9[%dma_start3A_296, %dma_start3A_305, %dma_start3A_306] : memref<2x256x128xf32, #tpu.memory_space<vmem>> -> memref<1x256x128xf32, #tpu.memory_space<vmem>>
      %dma_start3A_308 = tpu.memref_squeeze %dma_start3A_307 : memref<1x256x128xf32, #tpu.memory_space<vmem>> -> memref<256x128xf32, #tpu.memory_space<vmem>>
      tpu.enqueue_dma source(%dma_start3A_308 : memref<256x128xf32, #tpu.memory_space<vmem>>) target(%dma_start3A_304 : memref<256x128xf32, #tpu.memory_space<hbm>>) target_semaphore(%arg10 : memref<!tpu.dma_semaphore, #tpu.memory_space<semaphore_mem>>)
      %dma_wait3A_309 = arith.constant 1 : i32
      %dma_wait3A_310 = arith.constant 0 : i32
      %dma_wait3A_311 = arith.constant 0 : i32
      %dma_wait3A_312 = tpu.memref_slice %arg9[%dma_wait3A_309, %dma_wait3A_310, %dma_wait3A_311] : memref<2x256x128xf32, #tpu.memory_space<vmem>> -> memref<1x256x128xf32, #tpu.memory_space<vmem>>
      %dma_wait3A_313 = tpu.memref_squeeze %dma_wait3A_312 : memref<1x256x128xf32, #tpu.memory_space<vmem>> -> memref<256x128xf32, #tpu.memory_space<vmem>>
      %dma_wait3A_314 = arith.constant 0 : i32
      %dma_wait3A_315 = tpu.memref_slice %arg5[%mul3A_2, %dma_wait3A_314] : memref<65536x128xf32, #tpu.memory_space<hbm>> -> memref<256x128xf32, #tpu.memory_space<hbm>>
      %dma_wait3A_316 = arith.constant 0 : i32
      %dma_wait3A_317 = tpu.memref_slice %arg5[%mul3A_2, %dma_wait3A_316] : memref<65536x128xf32, #tpu.memory_space<hbm>> -> memref<256x128xf32, #tpu.memory_space<hbm>>
      %dma_wait3A_318 = arith.constant 0 : i32
      %dma_wait3A_319 = arith.constant 0 : i32
      %dma_wait3A_320 = tpu.memref_slice %arg9[%dma_wait3A_309, %dma_wait3A_318, %dma_wait3A_319] : memref<2x256x128xf32, #tpu.memory_space<vmem>> -> memref<1x256x128xf32, #tpu.memory_space<vmem>>
      %dma_wait3A_321 = tpu.memref_squeeze %dma_wait3A_320 : memref<1x256x128xf32, #tpu.memory_space<vmem>> -> memref<256x128xf32, #tpu.memory_space<vmem>>
      tpu.wait_dma2 semaphore(%arg11 : memref<!tpu.dma_semaphore, #tpu.memory_space<semaphore_mem>>) src(%dma_wait3A_321 : memref<256x128xf32, #tpu.memory_space<vmem>>) dst(%dma_wait3A_317 : memref<256x128xf32, #tpu.memory_space<hbm>>)
      %add3A_322 = arith.constant 1 : i32
      %add3A_323 = arith.addi %add3A_263, %add3A_322 : i32
      %mul3A_324 = arith.constant 2 : i32
      %mul3A_325 = arith.muli %mul3A_324, %add3A_323 : i32
      %add3A_326 = arith.constant 0 : i32
      %add3A_327 = arith.addi %mul3A_325, %add3A_326 : i32
      %mul3A_328 = arith.constant 128 : i32
      %mul3A_329 = arith.muli %add3A_327, %mul3A_328 : i32
      %run_scoped3A_330 = arith.constant 1 : i32
      "tpu.region"() ({
        %run_scoped3A_354 = tpu.sem_alloc : memref<!tpu.dma_semaphore, #tpu.memory_space<semaphore_mem>>
        %dma_start3A_355 = arith.constant 0 : i32
        %dma_start3A_356 = arith.constant 0 : i32
        %dma_start3A_357 = tpu.memref_slice %arg9[%run_scoped3A_330, %dma_start3A_355, %dma_start3A_356] : memref<2x256x128xf32, #tpu.memory_space<vmem>> -> memref<1x128x128xf32, #tpu.memory_space<vmem>>
        %dma_start3A_358 = tpu.memref_squeeze %dma_start3A_357 : memref<1x128x128xf32, #tpu.memory_space<vmem>> -> memref<128x128xf32, #tpu.memory_space<vmem>>
        %dma_start3A_359 = tpu.memref_slice %arg8[%mul3A_329] : memref<2048xi32, #tpu.memory_space<vmem>> -> memref<128xi32, #tpu.memory_space<vmem>>
        %dma_start3A_360 = arith.constant 0 : i32
        %dma_start3A_361 = arith.constant 0 : i32
        %dma_start3A_362 = tpu.memref_slice %arg6[%dma_start3A_360, %dma_start3A_361] : memref<366x128xf32, #tpu.memory_space<vmem_shared>> -> memref<366x128xf32, #tpu.memory_space<vmem_shared>>
        tpu.enqueue_indirect_dma source(%dma_start3A_362 : memref<366x128xf32, #tpu.memory_space<vmem_shared>>) target(%dma_start3A_358 : memref<128x128xf32, #tpu.memory_space<vmem>>) offsets(%dma_start3A_359 : memref<128xi32, #tpu.memory_space<vmem>>) semaphore(%run_scoped3A_354 : memref<!tpu.dma_semaphore, #tpu.memory_space<semaphore_mem>>)
        %dma_wait3A_363 = arith.constant 0 : i32
        %dma_wait3A_364 = arith.constant 0 : i32
        %dma_wait3A_365 = tpu.memref_slice %arg9[%run_scoped3A_330, %dma_wait3A_363, %dma_wait3A_364] : memref<2x256x128xf32, #tpu.memory_space<vmem>> -> memref<1x128x128xf32, #tpu.memory_space<vmem>>
        %dma_wait3A_366 = tpu.memref_squeeze %dma_wait3A_365 : memref<1x128x128xf32, #tpu.memory_space<vmem>> -> memref<128x128xf32, #tpu.memory_space<vmem>>
        %dma_wait3A_367 = tpu.memref_slice %arg8[%mul3A_329] : memref<2048xi32, #tpu.memory_space<vmem>> -> memref<128xi32, #tpu.memory_space<vmem>>
        %dma_wait3A_368 = arith.constant 0 : i32
        %dma_wait3A_369 = arith.constant 0 : i32
        %dma_wait3A_370 = tpu.memref_slice %arg6[%dma_wait3A_368, %dma_wait3A_369] : memref<366x128xf32, #tpu.memory_space<vmem_shared>> -> memref<366x128xf32, #tpu.memory_space<vmem_shared>>
        tpu.wait_indirect_dma semaphore(%run_scoped3A_354 : memref<!tpu.dma_semaphore, #tpu.memory_space<semaphore_mem>>) src(%dma_wait3A_370 : memref<366x128xf32, #tpu.memory_space<vmem_shared>>) dst(%dma_wait3A_366 : memref<128x128xf32, #tpu.memory_space<vmem>>)
        tpu.yield
      }) : () -> ()
      %mul3A_331 = arith.constant 2 : i32
      %mul3A_332 = arith.muli %mul3A_331, %add3A_323 : i32
      %add3A_333 = arith.constant 1 : i32
      %add3A_334 = arith.addi %mul3A_332, %add3A_333 : i32
      %mul3A_335 = arith.constant 128 : i32
      %mul3A_336 = arith.muli %add3A_334, %mul3A_335 : i32
      %run_scoped3A_337 = arith.constant 1 : i32
      "tpu.region"() ({
        %run_scoped3A_354 = tpu.sem_alloc : memref<!tpu.dma_semaphore, #tpu.memory_space<semaphore_mem>>
        %dma_start3A_355 = arith.constant 128 : i32
        %dma_start3A_356 = arith.constant 0 : i32
        %dma_start3A_357 = tpu.memref_slice %arg9[%run_scoped3A_337, %dma_start3A_355, %dma_start3A_356] : memref<2x256x128xf32, #tpu.memory_space<vmem>> -> memref<1x128x128xf32, #tpu.memory_space<vmem>>
        %dma_start3A_358 = tpu.memref_squeeze %dma_start3A_357 : memref<1x128x128xf32, #tpu.memory_space<vmem>> -> memref<128x128xf32, #tpu.memory_space<vmem>>
        %dma_start3A_359 = tpu.memref_slice %arg8[%mul3A_336] : memref<2048xi32, #tpu.memory_space<vmem>> -> memref<128xi32, #tpu.memory_space<vmem>>
        %dma_start3A_360 = arith.constant 0 : i32
        %dma_start3A_361 = arith.constant 0 : i32
        %dma_start3A_362 = tpu.memref_slice %arg6[%dma_start3A_360, %dma_start3A_361] : memref<366x128xf32, #tpu.memory_space<vmem_shared>> -> memref<366x128xf32, #tpu.memory_space<vmem_shared>>
        tpu.enqueue_indirect_dma source(%dma_start3A_362 : memref<366x128xf32, #tpu.memory_space<vmem_shared>>) target(%dma_start3A_358 : memref<128x128xf32, #tpu.memory_space<vmem>>) offsets(%dma_start3A_359 : memref<128xi32, #tpu.memory_space<vmem>>) semaphore(%run_scoped3A_354 : memref<!tpu.dma_semaphore, #tpu.memory_space<semaphore_mem>>)
        %dma_wait3A_363 = arith.constant 128 : i32
        %dma_wait3A_364 = arith.constant 0 : i32
        %dma_wait3A_365 = tpu.memref_slice %arg9[%run_scoped3A_337, %dma_wait3A_363, %dma_wait3A_364] : memref<2x256x128xf32, #tpu.memory_space<vmem>> -> memref<1x128x128xf32, #tpu.memory_space<vmem>>
        %dma_wait3A_366 = tpu.memref_squeeze %dma_wait3A_365 : memref<1x128x128xf32, #tpu.memory_space<vmem>> -> memref<128x128xf32, #tpu.memory_space<vmem>>
        %dma_wait3A_367 = tpu.memref_slice %arg8[%mul3A_336] : memref<2048xi32, #tpu.memory_space<vmem>> -> memref<128xi32, #tpu.memory_space<vmem>>
        %dma_wait3A_368 = arith.constant 0 : i32
        %dma_wait3A_369 = arith.constant 0 : i32
        %dma_wait3A_370 = tpu.memref_slice %arg6[%dma_wait3A_368, %dma_wait3A_369] : memref<366x128xf32, #tpu.memory_space<vmem_shared>> -> memref<366x128xf32, #tpu.memory_space<vmem_shared>>
        tpu.wait_indirect_dma semaphore(%run_scoped3A_354 : memref<!tpu.dma_semaphore, #tpu.memory_space<semaphore_mem>>) src(%dma_wait3A_370 : memref<366x128xf32, #tpu.memory_space<vmem_shared>>) dst(%dma_wait3A_366 : memref<128x128xf32, #tpu.memory_space<vmem>>)
        tpu.yield
      }) : () -> ()
      %mul3A_338 = arith.constant 256 : i32
      %mul3A_339 = arith.muli %add3A_323, %mul3A_338 : i32
      %add3A_340 = arith.addi %mul3A_2, %mul3A_339 : i32
      %dma_start3A_341 = arith.constant 1 : i32
      %dma_start3A_342 = arith.constant 0 : i32
      %dma_start3A_343 = arith.constant 0 : i32
      %dma_start3A_344 = tpu.memref_slice %arg9[%dma_start3A_341, %dma_start3A_342, %dma_start3A_343] : memref<2x256x128xf32, #tpu.memory_space<vmem>> -> memref<1x256x128xf32, #tpu.memory_space<vmem>>
      %dma_start3A_345 = tpu.memref_squeeze %dma_start3A_344 : memref<1x256x128xf32, #tpu.memory_space<vmem>> -> memref<256x128xf32, #tpu.memory_space<vmem>>
      %dma_start3A_346 = arith.constant 0 : i32
      %dma_start3A_347 = tpu.memref_slice %arg5[%add3A_340, %dma_start3A_346] : memref<65536x128xf32, #tpu.memory_space<hbm>> -> memref<256x128xf32, #tpu.memory_space<hbm>>
      %dma_start3A_348 = arith.constant 0 : i32
      %dma_start3A_349 = tpu.memref_slice %arg5[%add3A_340, %dma_start3A_348] : memref<65536x128xf32, #tpu.memory_space<hbm>> -> memref<256x128xf32, #tpu.memory_space<hbm>>
      %dma_start3A_350 = arith.constant 0 : i32
      %dma_start3A_351 = arith.constant 0 : i32
      %dma_start3A_352 = tpu.memref_slice %arg9[%dma_start3A_341, %dma_start3A_350, %dma_start3A_351] : memref<2x256x128xf32, #tpu.memory_space<vmem>> -> memref<1x256x128xf32, #tpu.memory_space<vmem>>
      %dma_start3A_353 = tpu.memref_squeeze %dma_start3A_352 : memref<1x256x128xf32, #tpu.memory_space<vmem>> -> memref<256x128xf32, #tpu.memory_space<vmem>>
      tpu.enqueue_dma source(%dma_start3A_353 : memref<256x128xf32, #tpu.memory_space<vmem>>) target(%dma_start3A_349 : memref<256x128xf32, #tpu.memory_space<hbm>>) target_semaphore(%arg11 : memref<!tpu.dma_semaphore, #tpu.memory_space<semaphore_mem>>)
    }
    %scan3A_232 = arith.constant 3 : i32
    %dma_wait3A_233 = arith.constant 0 : i32
    %dma_wait3A_234 = arith.constant 0 : i32
    %dma_wait3A_235 = arith.constant 0 : i32
    %dma_wait3A_236 = tpu.memref_slice %arg9[%dma_wait3A_233, %dma_wait3A_234, %dma_wait3A_235] : memref<2x256x128xf32, #tpu.memory_space<vmem>> -> memref<1x256x128xf32, #tpu.memory_space<vmem>>
    %dma_wait3A_237 = tpu.memref_squeeze %dma_wait3A_236 : memref<1x256x128xf32, #tpu.memory_space<vmem>> -> memref<256x128xf32, #tpu.memory_space<vmem>>
    %dma_wait3A_238 = arith.constant 0 : i32
    %dma_wait3A_239 = tpu.memref_slice %arg5[%add3A_198, %dma_wait3A_238] : memref<65536x128xf32, #tpu.memory_space<hbm>> -> memref<256x128xf32, #tpu.memory_space<hbm>>
    %dma_wait3A_240 = arith.constant 0 : i32
    %dma_wait3A_241 = tpu.memref_slice %arg5[%add3A_198, %dma_wait3A_240] : memref<65536x128xf32, #tpu.memory_space<hbm>> -> memref<256x128xf32, #tpu.memory_space<hbm>>
    %dma_wait3A_242 = arith.constant 0 : i32
    %dma_wait3A_243 = arith.constant 0 : i32
    %dma_wait3A_244 = tpu.memref_slice %arg9[%dma_wait3A_233, %dma_wait3A_242, %dma_wait3A_243] : memref<2x256x128xf32, #tpu.memory_space<vmem>> -> memref<1x256x128xf32, #tpu.memory_space<vmem>>
    %dma_wait3A_245 = tpu.memref_squeeze %dma_wait3A_244 : memref<1x256x128xf32, #tpu.memory_space<vmem>> -> memref<256x128xf32, #tpu.memory_space<vmem>>
    tpu.wait_dma2 semaphore(%arg10 : memref<!tpu.dma_semaphore, #tpu.memory_space<semaphore_mem>>) src(%dma_wait3A_245 : memref<256x128xf32, #tpu.memory_space<vmem>>) dst(%dma_wait3A_241 : memref<256x128xf32, #tpu.memory_space<hbm>>)
    %dma_wait3A_246 = arith.constant 1 : i32
    %dma_wait3A_247 = arith.constant 0 : i32
    %dma_wait3A_248 = arith.constant 0 : i32
    %dma_wait3A_249 = tpu.memref_slice %arg9[%dma_wait3A_246, %dma_wait3A_247, %dma_wait3A_248] : memref<2x256x128xf32, #tpu.memory_space<vmem>> -> memref<1x256x128xf32, #tpu.memory_space<vmem>>
    %dma_wait3A_250 = tpu.memref_squeeze %dma_wait3A_249 : memref<1x256x128xf32, #tpu.memory_space<vmem>> -> memref<256x128xf32, #tpu.memory_space<vmem>>
    %dma_wait3A_251 = arith.constant 0 : i32
    %dma_wait3A_252 = tpu.memref_slice %arg5[%add3A_215, %dma_wait3A_251] : memref<65536x128xf32, #tpu.memory_space<hbm>> -> memref<256x128xf32, #tpu.memory_space<hbm>>
    %dma_wait3A_253 = arith.constant 0 : i32
    %dma_wait3A_254 = tpu.memref_slice %arg5[%add3A_215, %dma_wait3A_253] : memref<65536x128xf32, #tpu.memory_space<hbm>> -> memref<256x128xf32, #tpu.memory_space<hbm>>
    %dma_wait3A_255 = arith.constant 0 : i32
    %dma_wait3A_256 = arith.constant 0 : i32
    %dma_wait3A_257 = tpu.memref_slice %arg9[%dma_wait3A_246, %dma_wait3A_255, %dma_wait3A_256] : memref<2x256x128xf32, #tpu.memory_space<vmem>> -> memref<1x256x128xf32, #tpu.memory_space<vmem>>
    %dma_wait3A_258 = tpu.memref_squeeze %dma_wait3A_257 : memref<1x256x128xf32, #tpu.memory_space<vmem>> -> memref<256x128xf32, #tpu.memory_space<vmem>>
    tpu.wait_dma2 semaphore(%arg11 : memref<!tpu.dma_semaphore, #tpu.memory_space<semaphore_mem>>) src(%dma_wait3A_258 : memref<256x128xf32, #tpu.memory_space<vmem>>) dst(%dma_wait3A_254 : memref<256x128xf32, #tpu.memory_space<hbm>>)
    return
  }
}

</mosaic_0001>

<sc_bundles>
// kernel: kernel.3.cloned.1.call-start
scs
__scs_entry_jumppad:
0x0: {  	(pc) =	sbr.rel $0x88, $3  }
0x1: {  	(tag) =	ssettag $0x0;
	lr =	simm.s32 $0x1  }
0x2: {  	[smem:$0x3F9F] =	sst lr;
	_ =	strace $0xD0000000  }
0x3: {  	_ = 	snop  }
0x4: {  	_ = 	snop  }
0x5: {  	_ = 	snop  }
0x6: {  	_ = 	snop  }
0x7: {  	_ = 	snop  }
__scs_overlays_trampoline_lowered:
0x8: {  	[smem:$0x3FAE] =	sst s0  }
0x9: {  	[smem:$0x3FAF] =	sst s1  }
0xa: {  	[smem:$0x3FB0] =	sst s2  }
0xb: {  	[smem:$0x3FB1] =	sst s3  }
0xc: {  	[smem:$0x3FB2] =	sst s4  }
0xd: {  	[smem:$0x3FB3] =	sst s5  }
0xe: {  	[smem:$0x3FB4] =	sst s6  }
0xf: {  	[smem:$0x3FB5] =	sst s7  }
0x10: {  	[smem:$0x3FB6] =	sst s8  }
0x11: {  	[smem:$0x3FB7] =	sst s9;
	s0 =	simm.s32 @!p0 $0x0  }
0x12: {  	s1 =	sld [smem:$0x3F9D];
	s0 =	simm.s32 @p0 $0x1  }
0x13: {  	[smem:$0x3FB8] =	sst s0;
	s0 =	simm.s32 @!p1 $0x0  }
0x14: {  	s2 =	sld [smem:$0x3F9C];
	s0 =	simm.s32 @p1 $0x1  }
0x15: {  	[smem:$0x3FB9] =	sst s0;
	s0 =	simm.s32 @!p2 $0x0  }
0x16: {  	s3 =	sld [smem:$0x3FDB];
	s0 =	simm.s32 @p2 $0x1  }
0x17: {  	s4 =	simm.s32 $0x1BF5;
	[smem:$0x3FBB] =	sst s0  }
0x18: {  	s0 =	sld [smem:$0x3F9E];
	_ =	swait.ge [sflag:s4], $0x0  }
0x19: {  	s7 =	sld [smem:$0x3F9F]  }
0x1a: {  	s8 =	sadd.s32 $0xFFFFE003, lr  }
0x1b: {  	s9 =	sadd.s32 $0xFFFFFEF7, lr;
	s5 =	simm.s32 $0xFFFFFFFF;
	p2 =	slt.u32 s8, $0xFFFFF086  }
0x1c: {  	p1 =	slt.u32 s9, $0xF7A;
	s5 =	simm.s32 @!p2 $0x0  }
0x1d: {  	s5 =	simm.s32 @p1 $0x1;
	p0 =	seq.s32 s7, s2  }
0x1e: {  	s7 =	smul.u32 @!p0 $0xF7A, s2;
	p2 =	seq.s32 @!p0 s5, $0x0  }
0x1f: {  	s9 =	smul.u32 $0xF7A, s1;
	s8 =	simm.s32 @!p0 $0x1BF5;
	p2 =	por !p2, p0  }
0x20: {  	[sflag:s8] =	ssyncset.s32 @!p0 $0xFFFFF086;
	s6 =	sadd.s32 @!p0 s3, s7;
	s7 =	simm.s32 @!p0 $0x108  }
0x21: {  	s3 =	sadd.s32 s3, s9;
	s6 =	sadd.s32 @!p0 $0x88, s6;
	s7 =	simm.s32 @p2 $0x1082  }
0x22: {  	[simem:s7], [sflag:s8] =	dma.local @!p0 [hbm:s6], $0xF7A  }
0x23: {  	s9 =	sor.u32 $0xD0000000, s2;
	s6 =	simm.s32 $0x108;
	_ =	swait.ge @!p0 [sflag:s8], $0x0  }
0x24: {  	s3 =	sadd.s32 $0x88, s3;
	s6 =	simm.s32 @!p1 $0x1082;
	[sflag:s4] =	ssyncset.s32 $0xFFFFF086  }
0x25: {  	[simem:s6], [sflag:s4] =	dma.local [hbm:s3], $0xF7A  }
0x26: {  	[smem:$0x3F9F] =	sst s1;
	(tag) =	ssettag s2;
	_ =	strace s9  }
0x27: {  	s1 =	sld [smem:$0x3FAF]  }
0x28: {  	s2 =	sld [smem:$0x3FB0]  }
0x29: {  	s4 =	sld [smem:$0x3FB2]  }
0x2a: {  	p0 =	seq.s32 s5, $0x0;
	s5 =	sld [smem:$0x3FB3]  }
0x2b: {  	s6 =	sld [smem:$0x3FB4]  }
0x2c: {  	s7 =	sld [smem:$0x3FB5]  }
0x2d: {  	s3 =	simm.s32 $0x108;
	s8 =	sld [smem:$0x3FB6]  }
0x2e: {  	s3 =	simm.s32 @!p0 $0x1082;
	s9 =	sld [smem:$0x3FB7]  }
0x2f: {  	lr =	sadd.s32 s0, s3;
	s0 =	sld [smem:$0x3FAE]  }
0x30: {  	s3 =	sld [smem:$0x3FB1]  }
0x31: {  	[smem:$0x3FBA] =	sst s10  }
0x32: {  	s10 =	sld [smem:$0x3FB8];
	_ =	sdelay $0x3  }
0x33: {  	p0 =	seq.s32 s10, $0x1;
	s10 =	sld [smem:$0x3FBA];
	_ =	sdelay $0x3  }
0x34: {  	[smem:$0x3FBA] =	sst s10  }
0x35: {  	s10 =	sld [smem:$0x3FB9];
	_ =	sdelay $0x3  }
0x36: {  	p1 =	seq.s32 s10, $0x1;
	s10 =	sld [smem:$0x3FBA];
	_ =	sdelay $0x3  }
0x37: {  	[smem:$0x3FBA] =	sst s10  }
0x38: {  	s10 =	sld [smem:$0x3FBB]  }
0x39: {  	_ = 	snop;
	(pc) =	sbr.ind lr, $3  }
0x3a: {  	_ = 	snop  }
0x3b: {  	_ = 	snop  }
0x3c: {  	p2 =	seq.s32 s10, $0x1;
	s10 =	sld [smem:$0x3FBA]  }
0x3d: {  	_ =	shalt  }
0x3e: {  	_ =	shalt  }
0x3f: {  	_ =	shalt  }
0x40: {  	_ =	shalt  }
0x41: {  	_ =	shalt  }
0x42: {  	_ =	shalt  }
0x43: {  	_ =	shalt  }
0x44: {  	_ =	shalt  }
0x45: {  	_ =	shalt  }
0x46: {  	_ =	shalt  }
0x47: {  	_ =	shalt  }
0x48: {  	_ =	shalt  }
0x49: {  	_ =	shalt  }
0x4a: {  	_ =	shalt  }
0x4b: {  	_ =	shalt  }
0x4c: {  	_ =	shalt  }
0x4d: {  	_ =	shalt  }
0x4e: {  	_ =	shalt  }
0x4f: {  	_ =	shalt  }
0x50: {  	_ =	shalt  }
0x51: {  	_ =	shalt  }
0x52: {  	_ =	shalt  }
0x53: {  	_ =	shalt  }
0x54: {  	_ =	shalt  }
0x55: {  	_ =	shalt  }
0x56: {  	_ =	shalt  }
0x57: {  	_ =	shalt  }
0x58: {  	_ =	shalt  }
0x59: {  	_ =	shalt  }
0x5a: {  	_ =	shalt  }
0x5b: {  	_ =	shalt  }
0x5c: {  	_ =	shalt  }
0x5d: {  	_ =	shalt  }
0x5e: {  	_ =	shalt  }
0x5f: {  	_ =	shalt  }
0x60: {  	_ =	shalt  }
0x61: {  	_ =	shalt  }
0x62: {  	_ =	shalt  }
0x63: {  	_ =	shalt  }
0x64: {  	_ =	shalt  }
0x65: {  	_ =	shalt  }
0x66: {  	_ =	shalt  }
0x67: {  	_ =	shalt  }
0x68: {  	_ =	shalt  }
0x69: {  	_ =	shalt  }
0x6a: {  	_ =	shalt  }
0x6b: {  	_ =	shalt  }
0x6c: {  	_ =	shalt  }
0x6d: {  	_ =	shalt  }
0x6e: {  	_ =	shalt  }
0x6f: {  	_ =	shalt  }
0x70: {  	_ =	shalt  }
0x71: {  	_ =	shalt  }
0x72: {  	_ =	shalt  }
0x73: {  	_ =	shalt  }
0x74: {  	_ =	shalt  }
0x75: {  	_ =	shalt  }
0x76: {  	_ =	shalt  }
0x77: {  	_ =	shalt  }
0x78: {  	_ =	shalt  }
0x79: {  	_ =	shalt  }
0x7a: {  	_ =	shalt  }
0x7b: {  	_ =	shalt  }
0x7c: {  	_ =	shalt  }
0x7d: {  	_ =	shalt  }
0x7e: {  	_ =	shalt  }
0x7f: {  	_ =	shalt  }
0x80: {  	_ =	shalt  }
0x81: {  	_ =	shalt  }
0x82: {  	_ =	shalt  }
0x83: {  	_ =	shalt  }
0x84: {  	_ =	shalt  }
0x85: {  	_ =	shalt  }
0x86: {  	_ =	shalt  }
0x87: {  	_ =	shalt  }
.Lfunc_end0:
.L_simem_size_0:
called_computation_lowered:
.L_overlay_start_0:
0x88: {  	s2 =	sld [smem:$0x3FD9]  }
0x89: {  	s3 =	sld [smem:$0x3FFE];
	_ =	sdelay $0x1  }
0x8a: {  	s1 =	srdreg.scid  }
0x8b: {  	s0 =	sand.u32 $0x1, s1  }
0x8c: {  	s17 =	sshll.u32 s0, $0xA;
	s2 =	sadd.s32 s3, s2  }
0x8d: {  	s2 =	sadd.s32 s2, s17  }
0x8e: {  	[smem:$0x3FC6] =	sst s2  }
0x8f: {  	_ = 	snop  }
0x90: {  	s2 =	sld [smem:$0x3FC8]  }
0x91: {  	s18 =	sld [smem:$0x3FD0];
	(tm) =	ssettm $0x1  }
0x92: {  	s4 =	sld [smem:$0x3FFB];
	_ =	sdelay $0x3  }
0x93: {  	_ =	strace s4  }
0x94: {  	s4 =	sld [smem:$0x3FFC];
	_ =	sdelay $0x3  }
0x95: {  	_ =	strace s4  }
0x96: {  	s4 =	sld [smem:$0x3FFD];
	_ =	sdelay $0x3  }
0x97: {  	_ =	strace s4  }
0x98: {  	_ =	strace $0x8FFFFFFF  }
0x99: {  	s19 =	sld [smem:$0x3FDB];
	_ =	sdelay $0x1  }
0x9a: {  	s5 =	simm.s32 $_scs_section_size  }
0x9b: {  	s6 =	simm.s32 $_size__tile_overlayer_lowered;
	s7 =	simm.s32 $_tile_overlayer_lowered  }
0x9c: {  	s22 =	simm.s32 $0x1BFF;
	s21 =	sshll.u32 s7, $0x1;
	s4 =	sadd.s32 s5, s19  }
0x9d: {  	s8 =	simm.s32 $0x0;
	s20 =	sshll.u32 s6, $0x1;
	s6 =	sadd.s32 s21, s4  }
0x9e: {  	[timem:s8], [sflag:s22] =	dma.local [hbm:s6], s20  }
0x9f: {  	_ =	swait.ge [sflag:s22], s20  }
0xa0: {  	s5 =	ssub.s32 $0x0, s20;
	[sflag:s22] =	ssyncset.done $0x0  }
0xa1: {  	[sflag:s22] =	ssyncadd.s32 s5;
	_ =	sdelay $0x1  }
0xa2: {  	s23 =	simm.s32 $0x1B8B  }
0xa3: {  	_ =	swait.ge [sflag:s23], $0x1  }
0xa4: {  	[sflag:s23] =	ssyncset.done $0x0  }
0xa5: {  	s25 =	simm.s32 $0x1B8E;
	s24 =	sld [smem:$0x3FFE];
	[sflag:s23] =	ssyncadd.s32 $0xFFFFFFFF  }
0xa6: {  	s26 =	simm.s32 $execute0_lowered;
	[smem:$0x3FD2] =	sst s25  }
0xa7: {  	s6 =	sshll.u32 s26, $0x1;
	_ =	strace $0x80000046;
	[dreg:$0x1] =	wrdreg $0xFFFFFFFF  }
0xa8: {  	s28 =	simm.s32 $_size_execute0_lowered;
	s4 =	sadd.s32 s4, s6;
	[dreg:$0x0] =	wrdreg $0x0  }
0xa9: {  	s6 =	sshll.u32 s28, $0x1;
	[dreg:$0x2] =	wrdreg s4  }
0xaa: {  	[dreg:$0x3] =	wrdreg s6  }
0xab: {  	[dreg:$0x4] =	wrdreg $0xC0  }
0xac: {  	_ =	task [dreg:s8], $0x5FFFF  }
0xad: {  	[dreg:$0x1] =	wrdreg $0xFFFFFFFF  }
0xae: {  	[dreg:$0x0] =	wrdreg $0x60  }
0xaf: {  	[dreg:$0x2] =	wrdreg s24  }
0xb0: {  	[dreg:$0x3] =	wrdreg s2  }
0xb1: {  	[dreg:$0x4] =	wrdreg s18  }
0xb2: {  	[dreg:$0x5] =	wrdreg $0x0  }
0xb3: {  	[dreg:$0x6] =	wrdreg $0x9  }
0xb4: {  	_ =	task.clear_ibuf [dreg:s8], $0x7FFFF;
	_ =	strace $0x90000046  }
0xb5: {  	s29 =	simm.s32 $0x9;
	_ =	strace $0x80000048  }
0xb6: {  	_ =	swait.ge [sflag:s29], $0x1  }
0xb7: {  	[sflag:s29] =	ssyncadd.s32 $0xFFFFFFFF  }
0xb8: {  	_ =	strace $0x90000048  }
0xb9: {  	_ =	sfence  }
0xba: {  	s30 =	sld [smem:$0x0];
	_ =	sdelay $0x2  }
0xbb: {  	s31 =	sshll.u32 s1, $0xD;
	s1 =	sshrl.u32 s1, $0x2  }
0xbc: {  	s3 =	sand.u32 $0x4000, s31;
	s1 =	sadd.s32 s1, s30  }
0xbd: {  	s0 =	sor.u32 s3, s0;
	s1 =	sshll.u32 s1, $0x11  }
0xbe: {  	s0 =	sor.u32 s1, s0  }
0xbf: {  	s0 =	sadd.s32 $0x8F2B, s0  }
0xc0: {  	[sflag:s0] =	ssyncadd.remote.s32 $0x1  }
0xc1: {  	_ =	sfence.sel $0xFFFF  }
0xc2: {  	[dreg:$0x0] =	wrdreg $0xFFFFFFFF;
	(pc) =	sbr.abs _section_cstart, $3  }
0xc3: {  	[dreg:$0x1] =	wrdreg $0xFFFFFFFF  }
0xc4: {  	_ =	task.clear_ibuf [dreg:s8], $0x2FFFF;
	_ =	strace $0x9FFFFFFF  }
0xc5: {  	(tm) =	ssettm $0x7FFFFFFF  }
tec
execute0_lowered:
.L_overlay_start_1:
0x0: {  	(tag) =	ssettag $0x1  }
0x1: {  	s0 =	rddreg [dreg:$0x0]  }
0x2: {  	s1 =	rddreg [dreg:$0x1]  }
0x3: {  	s5 =	rddreg [dreg:$0x2]  }
0x4: {  	s11 =	rddreg [dreg:$0x4]  }
0x5: {  	s2 =	srdreg.scid;
	[dreg:$0x5] =	wrdreg s1  }
0x6: {  	s4 =	sand.u32 $0x1, s2;
	s2 =	rddreg [dreg:$0x3];
	s1 =	simm.s32 $0x0  }
0x7: {  	s15 =	simm.s32 $0xBF0;
	[smem:$0x7FF] =	sst s1  }
0x8: {  	s16 =	simm.s32 $0xC70;
	_ =	strace $0x80000047;
	[dreg:$0xe] =	wrdreg s15  }
0x9: {  	s17 =	simm.s32 $0xCF0;
	[dreg:$0xf] =	wrdreg s16  }
0xa: {  	s18 =	simm.s32 $0xD70;
	[dreg:$0x10] =	wrdreg s17  }
0xb: {  	s19 =	simm.s32 $0xDF0;
	[dreg:$0x11] =	wrdreg s18  }
0xc: {  	s20 =	simm.s32 $0xE70;
	[dreg:$0x12] =	wrdreg s19  }
0xd: {  	s3 =	stileid.u32;
	s21 =	simm.s32 $0xEF0;
	[dreg:$0x13] =	wrdreg s20  }
0xe: {  	s22 =	simm.s32 $0xF70;
	s23 =	simm.s32 $0xFF0;
	[dreg:$0x14] =	wrdreg s21  }
0xf: {  	s24 =	simm.s32 $0x1070;
	s25 =	simm.s32 $0x10F0;
	[dreg:$0x15] =	wrdreg s22  }
0x10: {  	s26 =	simm.s32 $0x1170;
	s28 =	simm.s32 $0x11F0;
	[dreg:$0x16] =	wrdreg s23  }
0x11: {  	p1 =	por $0x0, $0x0;
	s6 =	sshll.u32 s3, $0xB;
	[dreg:$0x17] =	wrdreg s24  }
0x12: {  	s29 =	sadd.s32 $0x202400, s0;
	p0 =	sne.s32 s3, $0x0;
	[dreg:$0x18] =	wrdreg s25  }
0x13: {  	s30 =	sshll.u32 s4, $0xF;
	s4 =	ssub.s32 $0x2, s4;
	[dreg:$0x19] =	wrdreg s26  }
0x14: {  	s6 =	sor.u32 s6, s30;
	s10 =	sshrl.u32 s4, $0x1;
	[dreg:$0x1a] =	wrdreg s28  }
0x15: {  	s30 =	simm.s32 $0x1270;
	s7 =	sshrl.u32 s6, $0x3;
	s6 =	sshll.u32 s6, $0x4  }
0x16: {  	s4 =	ssub.s32 s4, s10;
	[dreg:$0x1b] =	wrdreg s30;
	s6 =	sadd.s32 s5, s6  }
0x17: {  	s7 =	sadd.s32 s7, s0;
	s0 =	sshrl.u32 @!p0 s2, $0x3;
	[dreg:$0x1d] =	wrdreg s6  }
0x18: {  	s14 =	smax.u32 s4, $0x1;
	s7 =	sadd.s32 $0x400, s7;
	[dreg:$0x1e] =	wrdreg s0  }
0x19: {  	s5 =	sadd.s32 $0x1000, s6;
	s31 =	sadd.s32 $0x2000, s6;
	[dreg:$0x6] =	wrdreg s7  }
0x1a: {  	s8 =	sadd.s32 $0x4000, s6;
	s9 =	sadd.s32 $0x5000, s6;
	[dreg:$0x7] =	wrdreg s5  }
0x1b: {  	s12 =	sadd.s32 $0x6000, s6;
	s13 =	sadd.s32 $0x7000, s6;
	[dreg:$0x8] =	wrdreg s31  }
0x1c: {  	s7 =	sadd.s32 $0x3000, s6;
	[dreg:$0xa] =	wrdreg s8;
	s6 =	sadd.s32 $0xFFFFFFFF, s14  }
0x1d: {  	s3 =	simm.s32 $0x3;
	[dreg:$0xb] =	wrdreg s9;
	p2 =	sne.s32 s6, $0x0  }
.Ltmp0:
0x1e: {  	s17 =	simm.s32 $0x5B70;
	[dreg:$0xc] =	wrdreg s12;
	(pc) =	sbr.rel @!p2 .LBB2_1-.Ltmp0, $4  }
0x1f: {  	s18 =	simm.s32 $0xDB70;
	s4 =	simm.s32 $0x80;
	[dreg:$0xd] =	wrdreg s13  }
0x20: {  	s31 =	simm.s32 $0x12F0;
	s12 =	simm.s32 $0x1AF0;
	[dreg:$0x9] =	wrdreg s7  }
0x21: {  	s5 =	simm.s32 $0x2;
	s14 =	simm.s32 $0x1B70;
	[dreg:$0x1c] =	wrdreg s31  }
0x22: {  	s9 =	simm.s32 $0x9B70;
	s7 =	simm.s32 $0x1;
	s8 =	rddreg [dreg:$0x6]  }
0x23: {  	s11 =	simm.s32 $0xB70  }
0x24: {  	[tilespmem:s11], [sflag:$0x3] =	stream.linear.gather [hbm4b:s8+s1], $0x800, $0x38;
	[tilespmem:$0x11B70] =	vst v63  }
0x25: {  	_ =	swait.ge [sflag:s3], $0x800  }
0x26: {  	[sflag:s3] =	ssyncset.done $0x0  }
0x27: {  	s31 =	simm.s32 $0x1370;
	s0 =	rddreg [dreg:$0xe];
	[sflag:s3] =	ssyncadd.s32 $0xFFFFF800  }
0x28: {  	[tilespmem:s31], [sflag:$0x2] =	stream.indirect.gather [hbm4b:s29+s4], $0x1, s11, s4, $0xb8;
	[tilespmem:$0x11B70] =	vst v63  }
0x29: {  	s20 =	rddreg [dreg:$0xf];
	s11 =	simm.s32 $0x13F0  }
0x2a: {  	[tilespmem:s11], [sflag:$0x2] =	stream.indirect.gather [hbm4b:s29+s4], $0x1, s0, s4, $0xb8;
	[tilespmem:$0x11B70] =	vst v63  }
0x2b: {  	s28 =	simm.s32 $0x1470;
	s21 =	rddreg [dreg:$0x10]  }
0x2c: {  	[tilespmem:s28], [sflag:$0x2] =	stream.indirect.gather [hbm4b:s29+s4], $0x1, s20, s4, $0xb8;
	[tilespmem:$0x11B70] =	vst v63  }
0x2d: {  	s26 =	simm.s32 $0x14F0;
	s22 =	rddreg [dreg:$0x11]  }
0x2e: {  	[tilespmem:s26], [sflag:$0x2] =	stream.indirect.gather [hbm4b:s29+s4], $0x1, s21, s4, $0xb8;
	[tilespmem:$0x11B70] =	vst v63  }
0x2f: {  	s25 =	simm.s32 $0x1570;
	s23 =	rddreg [dreg:$0x12]  }
0x30: {  	[tilespmem:s25], [sflag:$0x2] =	stream.indirect.gather [hbm4b:s29+s4], $0x1, s22, s4, $0xb8;
	[tilespmem:$0x11B70] =	vst v63  }
0x31: {  	s24 =	simm.s32 $0x15F0;
	s30 =	rddreg [dreg:$0x13]  }
0x32: {  	[tilespmem:s24], [sflag:$0x2] =	stream.indirect.gather [hbm4b:s29+s4], $0x1, s23, s4, $0xb8;
	[tilespmem:$0x11B70] =	vst v63  }
0x33: {  	s10 =	rddreg [dreg:$0x14];
	s23 =	simm.s32 $0x1670  }
0x34: {  	[tilespmem:s23], [sflag:$0x2] =	stream.indirect.gather [hbm4b:s29+s4], $0x1, s30, s4, $0xb8;
	[tilespmem:$0x11B70] =	vst v63  }
0x35: {  	s13 =	rddreg [dreg:$0x15];
	s22 =	simm.s32 $0x16F0  }
0x36: {  	[tilespmem:s22], [sflag:$0x2] =	stream.indirect.gather [hbm4b:s29+s4], $0x1, s10, s4, $0xb8;
	[tilespmem:$0x11B70] =	vst v63  }
0x37: {  	s15 =	rddreg [dreg:$0x16];
	s21 =	simm.s32 $0x1770  }
0x38: {  	[tilespmem:s21], [sflag:$0x2] =	stream.indirect.gather [hbm4b:s29+s4], $0x1, s13, s4, $0xb8;
	[tilespmem:$0x11B70] =	vst v63  }
0x39: {  	s16 =	rddreg [dreg:$0x17];
	s20 =	simm.s32 $0x17F0  }
0x3a: {  	[tilespmem:s20], [sflag:$0x2] =	stream.indirect.gather [hbm4b:s29+s4], $0x1, s15, s4, $0xb8;
	[tilespmem:$0x11B70] =	vst v63  }
0x3b: {  	s19 =	simm.s32 $0x1870;
	s18 =	rddreg [dreg:$0x18]  }
0x3c: {  	[tilespmem:s19], [sflag:$0x2] =	stream.indirect.gather [hbm4b:s29+s4], $0x1, s16, s4, $0xb8;
	[tilespmem:$0x11B70] =	vst v63  }
0x3d: {  	s8 =	rddreg [dreg:$0x5];
	s13 =	simm.s32 $0x18F0  }
0x3e: {  	[tilespmem:s13], [sflag:$0x2] =	stream.indirect.gather [hbm4b:s29+s4], $0x1, s18, s4, $0xb8;
	[tilespmem:$0x11B70] =	vst v63  }
0x3f: {  	s30 =	rddreg [dreg:$0x19];
	s16 =	simm.s32 $0x1970  }
0x40: {  	[tilespmem:s16], [sflag:$0x2] =	stream.indirect.gather [hbm4b:s29+s4], $0x1, s30, s4, $0xb8;
	[tilespmem:$0x11B70] =	vst v63  }
0x41: {  	s10 =	rddreg [dreg:$0x1a];
	s15 =	simm.s32 $0x19F0  }
0x42: {  	[tilespmem:s15], [sflag:$0x2] =	stream.indirect.gather [hbm4b:s29+s4], $0x1, s10, s4, $0xb8;
	[tilespmem:$0x11B70] =	vst v63  }
0x43: {  	s18 =	rddreg [dreg:$0x1b];
	s10 =	simm.s32 $0x1A70  }
0x44: {  	[tilespmem:s10], [sflag:$0x2] =	stream.indirect.gather [hbm4b:s29+s4], $0x1, s18, s4, $0xb8;
	[tilespmem:$0x11B70] =	vst v63  }
0x45: {  	s30 =	rddreg [dreg:$0x1c]  }
0x46: {  	[tilespmem:s12], [sflag:$0x2] =	stream.indirect.gather [hbm4b:s29+s4], $0x1, s30, s4, $0xb8;
	[tilespmem:$0x11B70] =	vst v63  }
0x47: {  	s0 =	simm.s32 @!p0 $0x3;
	s18 =	simm.s32 @!p0 $0x1C03;
	s30 =	rddreg [dreg:$0x1e]  }
0x48: {  	[spmem:s30], [sflag:s18] =	dma.local @!p0 [hbm:s8], $0x16E0  }
0x49: {  	_ =	swait.ge @!p0 [sflag:s0], $0x16E0  }
0x4a: {  	[sflag:s0] =	ssyncset.done @!p0 $0x0  }
0x4b: {  	[sflag:s0] =	ssyncadd.s32 @!p0 $0xFFFFE920  }
0x4c: {  	[bflag:$0x0] =	sbarrier.arrive $0xFFFF  }
0x4d: {  	_ =	swait.ge [sflag:s5], $0x80  }
0x4e: {  	[sflag:s5] =	ssyncset.done $0x0  }
0x4f: {  	[sflag:s5] =	ssyncadd.s32 $0xFFFFFF80  }
0x50: {  	_ =	swait.ge [sflag:s5], $0x80  }
0x51: {  	[sflag:s5] =	ssyncset.done $0x0  }
0x52: {  	[sflag:s5] =	ssyncadd.s32 $0xFFFFFF80  }
0x53: {  	_ =	swait.ge [sflag:s5], $0x80  }
0x54: {  	[sflag:s5] =	ssyncset.done $0x0  }
0x55: {  	[sflag:s5] =	ssyncadd.s32 $0xFFFFFF80  }
0x56: {  	_ =	swait.ge [sflag:s5], $0x80  }
0x57: {  	[sflag:s5] =	ssyncset.done $0x0  }
0x58: {  	[sflag:s5] =	ssyncadd.s32 $0xFFFFFF80  }
0x59: {  	_ =	swait.ge [sflag:s5], $0x80  }
0x5a: {  	[sflag:s5] =	ssyncset.done $0x0  }
0x5b: {  	[sflag:s5] =	ssyncadd.s32 $0xFFFFFF80  }
0x5c: {  	_ =	swait.ge [sflag:s5], $0x80  }
0x5d: {  	[sflag:s5] =	ssyncset.done $0x0  }
0x5e: {  	[sflag:s5] =	ssyncadd.s32 $0xFFFFFF80  }
0x5f: {  	_ =	swait.ge [sflag:s5], $0x80  }
0x60: {  	[sflag:s5] =	ssyncset.done $0x0  }
0x61: {  	[sflag:s5] =	ssyncadd.s32 $0xFFFFFF80  }
0x62: {  	_ =	swait.ge [sflag:s5], $0x80  }
0x63: {  	[sflag:s5] =	ssyncset.done $0x0  }
0x64: {  	[sflag:s5] =	ssyncadd.s32 $0xFFFFFF80  }
0x65: {  	_ =	swait.ge [sflag:s5], $0x80  }
0x66: {  	[sflag:s5] =	ssyncset.done $0x0  }
0x67: {  	[sflag:s5] =	ssyncadd.s32 $0xFFFFFF80  }
0x68: {  	_ =	swait.ge [sflag:s5], $0x80  }
0x69: {  	[sflag:s5] =	ssyncset.done $0x0  }
0x6a: {  	[sflag:s5] =	ssyncadd.s32 $0xFFFFFF80  }
0x6b: {  	_ =	swait.ge [sflag:s5], $0x80  }
0x6c: {  	[sflag:s5] =	ssyncset.done $0x0  }
0x6d: {  	[sflag:s5] =	ssyncadd.s32 $0xFFFFFF80  }
0x6e: {  	_ =	swait.ge [sflag:s5], $0x80  }
0x6f: {  	[sflag:s5] =	ssyncset.done $0x0  }
0x70: {  	[sflag:s5] =	ssyncadd.s32 $0xFFFFFF80  }
0x71: {  	_ =	swait.ge [sflag:s5], $0x80  }
0x72: {  	[sflag:s5] =	ssyncset.done $0x0  }
0x73: {  	[sflag:s5] =	ssyncadd.s32 $0xFFFFFF80  }
0x74: {  	_ =	swait.ge [sflag:s5], $0x80  }
0x75: {  	[sflag:s5] =	ssyncset.done $0x0  }
0x76: {  	[sflag:s5] =	ssyncadd.s32 $0xFFFFFF80  }
0x77: {  	_ =	swait.ge [sflag:s5], $0x80  }
0x78: {  	[sflag:s5] =	ssyncset.done $0x0  }
0x79: {  	[sflag:s5] =	ssyncadd.s32 $0xFFFFFF80  }
0x7a: {  	_ =	swait.ge [sflag:s5], $0x80  }
0x7b: {  	[sflag:s5] =	ssyncset.done $0x0  }
0x7c: {  	[sflag:s5] =	ssyncadd.s32 $0xFFFFFF80  }
0x7d: {  	[tilespmem:s14], [sflag:$0x3] =	stream.indirect.gather [spmem:s2], $0x80, s31, s4, $0xb8;
	[tilespmem:$0x11B70] =	vst v63  }
0x7e: {  	_ =	swait.ge [sflag:s3], $0x4000  }
0x7f: {  	[sflag:s3] =	ssyncset.done $0x0  }
0x80: {  	[sflag:s3] =	ssyncadd.s32 $0xFFFFC000  }
0x81: {  	[tilespmem:s17], [sflag:$0x3] =	stream.indirect.gather [spmem:s2], $0x80, s11, s4, $0xb8;
	[tilespmem:$0x11B70] =	vst v63  }
0x82: {  	_ =	swait.ge [sflag:s3], $0x4000  }
0x83: {  	[sflag:s3] =	ssyncset.done $0x0  }
0x84: {  	s31 =	rddreg [dreg:$0x1d];
	[sflag:s3] =	ssyncadd.s32 $0xFFFFC000  }
0x85: {  	[hbm4b:s31+s1] =	stream.linear.scatter [tilespmem:s14], [sflag:$0x1], $0x8000, $0x38;
	[tilespmem:$0x11B70] =	vst v63  }
0x86: {  	_ = 	snop  }
0x87: {  	[tilespmem:s9], [sflag:$0x3] =	stream.indirect.gather [spmem:s2], $0x80, s28, s4, $0xb8;
	[tilespmem:$0x11B70] =	vst v63  }
0x88: {  	_ =	swait.ge [sflag:s3], $0x4000  }
0x89: {  	[sflag:s3] =	ssyncset.done $0x0  }
0x8a: {  	s18 =	simm.s32 $0xDB70;
	[sflag:s3] =	ssyncadd.s32 $0xFFFFC000  }
0x8b: {  	[tilespmem:s18], [sflag:$0x3] =	stream.indirect.gather [spmem:s2], $0x80, s26, s4, $0xb8;
	[tilespmem:$0x11B70] =	vst v63  }
0x8c: {  	_ =	swait.ge [sflag:s3], $0x4000  }
0x8d: {  	[sflag:s3] =	ssyncset.done $0x0  }
0x8e: {  	s11 =	rddreg [dreg:$0x7];
	[sflag:s3] =	ssyncadd.s32 $0xFFFFC000  }
0x8f: {  	[hbm4b:s11+s1] =	stream.linear.scatter [tilespmem:s9], [sflag:$0x2], $0x8000, $0x38;
	[tilespmem:$0x11B70] =	vst v63  }
0x90: {  	_ =	swait.ge [sflag:s7], $0x8000  }
0x91: {  	[sflag:s7] =	ssyncset.done $0x0  }
0x92: {  	[sflag:s7] =	ssyncadd.s32 $0xFFFF8000  }
0x93: {  	[tilespmem:s14], [sflag:$0x3] =	stream.indirect.gather [spmem:s2], $0x80, s25, s4, $0xb8;
	[tilespmem:$0x11B70] =	vst v63  }
0x94: {  	_ =	swait.ge [sflag:s3], $0x4000  }
0x95: {  	[sflag:s3] =	ssyncset.done $0x0  }
0x96: {  	[sflag:s3] =	ssyncadd.s32 $0xFFFFC000  }
0x97: {  	[tilespmem:s17], [sflag:$0x3] =	stream.indirect.gather [spmem:s2], $0x80, s24, s4, $0xb8;
	[tilespmem:$0x11B70] =	vst v63  }
0x98: {  	_ =	swait.ge [sflag:s3], $0x4000  }
0x99: {  	[sflag:s3] =	ssyncset.done $0x0  }
0x9a: {  	s24 =	rddreg [dreg:$0x8];
	[sflag:s3] =	ssyncadd.s32 $0xFFFFC000  }
0x9b: {  	[hbm4b:s24+s1] =	stream.linear.scatter [tilespmem:s14], [sflag:$0x1], $0x8000, $0x38;
	[tilespmem:$0x11B70] =	vst v63  }
0x9c: {  	_ =	swait.ge [sflag:s5], $0x8000  }
0x9d: {  	[sflag:s5] =	ssyncset.done $0x0  }
0x9e: {  	[sflag:s5] =	ssyncadd.s32 $0xFFFF8000  }
0x9f: {  	[tilespmem:s9], [sflag:$0x3] =	stream.indirect.gather [spmem:s2], $0x80, s23, s4, $0xb8;
	[tilespmem:$0x11B70] =	vst v63  }
0xa0: {  	_ =	swait.ge [sflag:s3], $0x4000  }
0xa1: {  	[sflag:s3] =	ssyncset.done $0x0  }
0xa2: {  	[sflag:s3] =	ssyncadd.s32 $0xFFFFC000  }
0xa3: {  	[tilespmem:s18], [sflag:$0x3] =	stream.indirect.gather [spmem:s2], $0x80, s22, s4, $0xb8;
	[tilespmem:$0x11B70] =	vst v63  }
0xa4: {  	_ =	swait.ge [sflag:s3], $0x4000  }
0xa5: {  	[sflag:s3] =	ssyncset.done $0x0  }
0xa6: {  	s25 =	rddreg [dreg:$0x9];
	[sflag:s3] =	ssyncadd.s32 $0xFFFFC000  }
0xa7: {  	[hbm4b:s25+s1] =	stream.linear.scatter [tilespmem:s9], [sflag:$0x2], $0x8000, $0x38;
	[tilespmem:$0x11B70] =	vst v63  }
0xa8: {  	_ =	swait.ge [sflag:s7], $0x8000  }
0xa9: {  	[sflag:s7] =	ssyncset.done $0x0  }
0xaa: {  	[sflag:s7] =	ssyncadd.s32 $0xFFFF8000  }
0xab: {  	[tilespmem:s14], [sflag:$0x3] =	stream.indirect.gather [spmem:s2], $0x80, s21, s4, $0xb8;
	[tilespmem:$0x11B70] =	vst v63  }
0xac: {  	_ =	swait.ge [sflag:s3], $0x4000  }
0xad: {  	[sflag:s3] =	ssyncset.done $0x0  }
0xae: {  	[sflag:s3] =	ssyncadd.s32 $0xFFFFC000  }
0xaf: {  	[tilespmem:s17], [sflag:$0x3] =	stream.indirect.gather [spmem:s2], $0x80, s20, s4, $0xb8;
	[tilespmem:$0x11B70] =	vst v63  }
0xb0: {  	_ =	swait.ge [sflag:s3], $0x4000  }
0xb1: {  	[sflag:s3] =	ssyncset.done $0x0  }
0xb2: {  	s26 =	rddreg [dreg:$0xa];
	[sflag:s3] =	ssyncadd.s32 $0xFFFFC000  }
0xb3: {  	[hbm4b:s26+s1] =	stream.linear.scatter [tilespmem:s14], [sflag:$0x1], $0x8000, $0x38;
	[tilespmem:$0x11B70] =	vst v63  }
0xb4: {  	_ =	swait.ge [sflag:s5], $0x8000  }
0xb5: {  	[sflag:s5] =	ssyncset.done $0x0  }
0xb6: {  	[sflag:s5] =	ssyncadd.s32 $0xFFFF8000  }
0xb7: {  	[tilespmem:s9], [sflag:$0x3] =	stream.indirect.gather [spmem:s2], $0x80, s19, s4, $0xb8;
	[tilespmem:$0x11B70] =	vst v63  }
0xb8: {  	_ =	swait.ge [sflag:s3], $0x4000  }
0xb9: {  	[sflag:s3] =	ssyncset.done $0x0  }
0xba: {  	[sflag:s3] =	ssyncadd.s32 $0xFFFFC000  }
0xbb: {  	[tilespmem:s18], [sflag:$0x3] =	stream.indirect.gather [spmem:s2], $0x80, s13, s4, $0xb8;
	[tilespmem:$0x11B70] =	vst v63  }
0xbc: {  	_ =	swait.ge [sflag:s3], $0x4000  }
0xbd: {  	[sflag:s3] =	ssyncset.done $0x0  }
0xbe: {  	s28 =	rddreg [dreg:$0xb];
	[sflag:s3] =	ssyncadd.s32 $0xFFFFC000  }
0xbf: {  	[hbm4b:s28+s1] =	stream.linear.scatter [tilespmem:s9], [sflag:$0x2], $0x8000, $0x38;
	[tilespmem:$0x11B70] =	vst v63  }
0xc0: {  	_ =	swait.ge [sflag:s7], $0x8000  }
0xc1: {  	[sflag:s7] =	ssyncset.done $0x0  }
0xc2: {  	[sflag:s7] =	ssyncadd.s32 $0xFFFF8000  }
0xc3: {  	[tilespmem:s14], [sflag:$0x3] =	stream.indirect.gather [spmem:s2], $0x80, s16, s4, $0xb8;
	[tilespmem:$0x11B70] =	vst v63  }
0xc4: {  	_ =	swait.ge [sflag:s3], $0x4000  }
0xc5: {  	[sflag:s3] =	ssyncset.done $0x0  }
0xc6: {  	[sflag:s3] =	ssyncadd.s32 $0xFFFFC000  }
0xc7: {  	[tilespmem:s17], [sflag:$0x3] =	stream.indirect.gather [spmem:s2], $0x80, s15, s4, $0xb8;
	[tilespmem:$0x11B70] =	vst v63  }
0xc8: {  	_ =	swait.ge [sflag:s3], $0x4000  }
0xc9: {  	[sflag:s3] =	ssyncset.done $0x0  }
0xca: {  	s30 =	rddreg [dreg:$0xc];
	[sflag:s3] =	ssyncadd.s32 $0xFFFFC000  }
0xcb: {  	[hbm4b:s30+s1] =	stream.linear.scatter [tilespmem:s14], [sflag:$0x1], $0x8000, $0x38;
	[tilespmem:$0x11B70] =	vst v63  }
0xcc: {  	_ =	swait.ge [sflag:s5], $0x8000  }
0xcd: {  	[sflag:s5] =	ssyncset.done $0x0  }
0xce: {  	[sflag:s5] =	ssyncadd.s32 $0xFFFF8000  }
0xcf: {  	[tilespmem:s9], [sflag:$0x3] =	stream.indirect.gather [spmem:s2], $0x80, s10, s4, $0xb8;
	[tilespmem:$0x11B70] =	vst v63  }
0xd0: {  	_ =	swait.ge [sflag:s3], $0x4000  }
0xd1: {  	[sflag:s3] =	ssyncset.done $0x0  }
0xd2: {  	[sflag:s3] =	ssyncadd.s32 $0xFFFFC000  }
0xd3: {  	[tilespmem:s18], [sflag:$0x3] =	stream.indirect.gather [spmem:s2], $0x80, s12, s4, $0xb8;
	[tilespmem:$0x11B70] =	vst v63  }
0xd4: {  	_ =	swait.ge [sflag:s3], $0x4000  }
0xd5: {  	s6 =	sadd.s32 $0xFFFFFFFF, s6;
	[sflag:s3] =	ssyncset.done $0x0  }
0xd6: {  	p2 =	sne.s32 s6, $0x0;
	s31 =	rddreg [dreg:$0xd];
	[sflag:s3] =	ssyncadd.s32 $0xFFFFC000  }
0xd7: {  	[hbm4b:s31+s1] =	stream.linear.scatter [tilespmem:s9], [sflag:$0x2], $0x8000, $0x38;
	[tilespmem:$0x11B70] =	vst v63  }
.Ltmp1:
0xd8: {  	_ =	swait.ge [sflag:s7], $0x8000;
	(pc) =	sbr.rel @!p2 .LBB2_7-.Ltmp1, $4  }
0xd9: {  	[sflag:s7] =	ssyncset.done $0x0  }
0xda: {  	[sflag:s7] =	ssyncadd.s32 $0xFFFF8000  }
0xdb: {  	_ =	swait.ge [sflag:s5], $0x8000  }
0xdc: {  	p1 =	por $0x1, $0x1;
	s8 =	rddreg [dreg:$0x6];
	[sflag:s5] =	ssyncset.done $0x0  }
0xdd: {  	s31 =	simm.s32 $0x1370;
	s30 =	simm.s32 $0x13F0;
	s28 =	simm.s32 $0x1470  }
0xde: {  	s26 =	simm.s32 $0x14F0;
	s25 =	simm.s32 $0x1570;
	s24 =	simm.s32 $0x15F0  }
0xdf: {  	s23 =	simm.s32 $0x1670;
	s22 =	simm.s32 $0x16F0;
	s21 =	simm.s32 $0x1770  }
0xe0: {  	s20 =	simm.s32 $0x17F0;
	s19 =	simm.s32 $0x1870;
	s13 =	simm.s32 $0x18F0  }
0xe1: {  	s16 =	simm.s32 $0x1970;
	s15 =	simm.s32 $0x19F0;
	s10 =	simm.s32 $0x1A70  }
.LBB2_4:
0xe2: {  	[sflag:s5] =	ssyncadd.s32 $0xFFFF8000;
	s12 =	simm.s32 $0xB70  }
0xe3: {  	[tilespmem:s12], [sflag:$0x3] =	stream.linear.gather [hbm4b:s8+s1], $0x800, $0x38;
	[tilespmem:$0x11B70] =	vst v63  }
0xe4: {  	_ =	swait.ge [sflag:s3], $0x800  }
0xe5: {  	[sflag:s3] =	ssyncset.done $0x0  }
0xe6: {  	s8 =	rddreg [dreg:$0x5];
	[sflag:s3] =	ssyncadd.s32 $0xFFFFF800  }
0xe7: {  	[tilespmem:s31], [sflag:$0x2] =	stream.indirect.gather [hbm4b:s29+s4], $0x1, s12, s4, $0xb8;
	[tilespmem:$0x11B70] =	vst v63  }
0xe8: {  	s11 =	rddreg [dreg:$0xe]  }
0xe9: {  	[tilespmem:s30], [sflag:$0x2] =	stream.indirect.gather [hbm4b:s29+s4], $0x1, s11, s4, $0xb8;
	[tilespmem:$0x11B70] =	vst v63  }
0xea: {  	s12 =	rddreg [dreg:$0xf]  }
0xeb: {  	[tilespmem:s28], [sflag:$0x2] =	stream.indirect.gather [hbm4b:s29+s4], $0x1, s12, s4, $0xb8;
	[tilespmem:$0x11B70] =	vst v63  }
0xec: {  	s18 =	rddreg [dreg:$0x10]  }
0xed: {  	[tilespmem:s26], [sflag:$0x2] =	stream.indirect.gather [hbm4b:s29+s4], $0x1, s18, s4, $0xb8;
	[tilespmem:$0x11B70] =	vst v63  }
0xee: {  	s12 =	rddreg [dreg:$0x11]  }
0xef: {  	[tilespmem:s25], [sflag:$0x2] =	stream.indirect.gather [hbm4b:s29+s4], $0x1, s12, s4, $0xb8;
	[tilespmem:$0x11B70] =	vst v63  }
0xf0: {  	s18 =	rddreg [dreg:$0x12]  }
0xf1: {  	[tilespmem:s24], [sflag:$0x2] =	stream.indirect.gather [hbm4b:s29+s4], $0x1, s18, s4, $0xb8;
	[tilespmem:$0x11B70] =	vst v63  }
0xf2: {  	s12 =	rddreg [dreg:$0x13]  }
0xf3: {  	[tilespmem:s23], [sflag:$0x2] =	stream.indirect.gather [hbm4b:s29+s4], $0x1, s12, s4, $0xb8;
	[tilespmem:$0x11B70] =	vst v63  }
0xf4: {  	s18 =	rddreg [dreg:$0x14]  }
0xf5: {  	[tilespmem:s22], [sflag:$0x2] =	stream.indirect.gather [hbm4b:s29+s4], $0x1, s18, s4, $0xb8;
	[tilespmem:$0x11B70] =	vst v63  }
0xf6: {  	s12 =	rddreg [dreg:$0x15]  }
0xf7: {  	[tilespmem:s21], [sflag:$0x2] =	stream.indirect.gather [hbm4b:s29+s4], $0x1, s12, s4, $0xb8;
	[tilespmem:$0x11B70] =	vst v63  }
0xf8: {  	s18 =	rddreg [dreg:$0x16]  }
0xf9: {  	[tilespmem:s20], [sflag:$0x2] =	stream.indirect.gather [hbm4b:s29+s4], $0x1, s18, s4, $0xb8;
	[tilespmem:$0x11B70] =	vst v63  }
0xfa: {  	s12 =	rddreg [dreg:$0x17]  }
0xfb: {  	[tilespmem:s19], [sflag:$0x2] =	stream.indirect.gather [hbm4b:s29+s4], $0x1, s12, s4, $0xb8;
	[tilespmem:$0x11B70] =	vst v63  }
0xfc: {  	s18 =	rddreg [dreg:$0x18]  }
0xfd: {  	[tilespmem:s13], [sflag:$0x2] =	stream.indirect.gather [hbm4b:s29+s4], $0x1, s18, s4, $0xb8;
	[tilespmem:$0x11B70] =	vst v63  }
0xfe: {  	s12 =	rddreg [dreg:$0x19]  }
0xff: {  	[tilespmem:s16], [sflag:$0x2] =	stream.indirect.gather [hbm4b:s29+s4], $0x1, s12, s4, $0xb8;
	[tilespmem:$0x11B70] =	vst v63  }
0x100: {  	s18 =	rddreg [dreg:$0x1a]  }
0x101: {  	[tilespmem:s15], [sflag:$0x2] =	stream.indirect.gather [hbm4b:s29+s4], $0x1, s18, s4, $0xb8;
	[tilespmem:$0x11B70] =	vst v63  }
0x102: {  	s12 =	rddreg [dreg:$0x1b]  }
0x103: {  	[tilespmem:s10], [sflag:$0x2] =	stream.indirect.gather [hbm4b:s29+s4], $0x1, s12, s4, $0xb8;
	[tilespmem:$0x11B70] =	vst v63  }
0x104: {  	s18 =	rddreg [dreg:$0x1c];
	s12 =	simm.s32 $0x1AF0  }
0x105: {  	[tilespmem:s12], [sflag:$0x2] =	stream.indirect.gather [hbm4b:s29+s4], $0x1, s18, s4, $0xb8;
	[tilespmem:$0x11B70] =	vst v63  }
0x106: {  	s11 =	rddreg [dreg:$0x1e];
	s18 =	simm.s32 @!p0 $0x1C03  }
0x107: {  	[spmem:s11], [sflag:s18] =	dma.local @!p0 [hbm:s8], $0x16E0  }
0x108: {  	_ =	swait.ge @!p0 [sflag:s0], $0x16E0  }
0x109: {  	[sflag:s0] =	ssyncset.done @!p0 $0x0  }
0x10a: {  	[sflag:s0] =	ssyncadd.s32 @!p0 $0xFFFFE920  }
0x10b: {  	[bflag:$0x0] =	sbarrier.arrive $0xFFFF  }
0x10c: {  	_ =	swait.ge [sflag:s5], $0x80  }
0x10d: {  	[sflag:s5] =	ssyncset.done $0x0  }
0x10e: {  	[sflag:s5] =	ssyncadd.s32 $0xFFFFFF80  }
0x10f: {  	_ =	swait.ge [sflag:s5], $0x80  }
0x110: {  	[sflag:s5] =	ssyncset.done $0x0  }
0x111: {  	[sflag:s5] =	ssyncadd.s32 $0xFFFFFF80  }
0x112: {  	_ =	swait.ge [sflag:s5], $0x80  }
0x113: {  	[sflag:s5] =	ssyncset.done $0x0  }
0x114: {  	[sflag:s5] =	ssyncadd.s32 $0xFFFFFF80  }
0x115: {  	_ =	swait.ge [sflag:s5], $0x80  }
0x116: {  	[sflag:s5] =	ssyncset.done $0x0  }
0x117: {  	[sflag:s5] =	ssyncadd.s32 $0xFFFFFF80  }
0x118: {  	_ =	swait.ge [sflag:s5], $0x80  }
0x119: {  	[sflag:s5] =	ssyncset.done $0x0  }
0x11a: {  	[sflag:s5] =	ssyncadd.s32 $0xFFFFFF80  }
0x11b: {  	_ =	swait.ge [sflag:s5], $0x80  }
0x11c: {  	[sflag:s5] =	ssyncset.done $0x0  }
0x11d: {  	[sflag:s5] =	ssyncadd.s32 $0xFFFFFF80  }
0x11e: {  	_ =	swait.ge [sflag:s5], $0x80  }
0x11f: {  	[sflag:s5] =	ssyncset.done $0x0  }
0x120: {  	[sflag:s5] =	ssyncadd.s32 $0xFFFFFF80  }
0x121: {  	_ =	swait.ge [sflag:s5], $0x80  }
0x122: {  	[sflag:s5] =	ssyncset.done $0x0  }
0x123: {  	[sflag:s5] =	ssyncadd.s32 $0xFFFFFF80  }
0x124: {  	_ =	swait.ge [sflag:s5], $0x80  }
0x125: {  	[sflag:s5] =	ssyncset.done $0x0  }
0x126: {  	[sflag:s5] =	ssyncadd.s32 $0xFFFFFF80  }
0x127: {  	_ =	swait.ge [sflag:s5], $0x80  }
0x128: {  	[sflag:s5] =	ssyncset.done $0x0  }
0x129: {  	[sflag:s5] =	ssyncadd.s32 $0xFFFFFF80  }
0x12a: {  	_ =	swait.ge [sflag:s5], $0x80  }
0x12b: {  	[sflag:s5] =	ssyncset.done $0x0  }
0x12c: {  	[sflag:s5] =	ssyncadd.s32 $0xFFFFFF80  }
0x12d: {  	_ =	swait.ge [sflag:s5], $0x80  }
0x12e: {  	[sflag:s5] =	ssyncset.done $0x0  }
0x12f: {  	[sflag:s5] =	ssyncadd.s32 $0xFFFFFF80  }
0x130: {  	_ =	swait.ge [sflag:s5], $0x80  }
0x131: {  	[sflag:s5] =	ssyncset.done $0x0  }
0x132: {  	[sflag:s5] =	ssyncadd.s32 $0xFFFFFF80  }
0x133: {  	_ =	swait.ge [sflag:s5], $0x80  }
0x134: {  	[sflag:s5] =	ssyncset.done $0x0  }
0x135: {  	[sflag:s5] =	ssyncadd.s32 $0xFFFFFF80  }
0x136: {  	_ =	swait.ge [sflag:s5], $0x80  }
0x137: {  	[sflag:s5] =	ssyncset.done $0x0  }
0x138: {  	[sflag:s5] =	ssyncadd.s32 $0xFFFFFF80  }
0x139: {  	_ =	swait.ge [sflag:s5], $0x80  }
0x13a: {  	[sflag:s5] =	ssyncset.done $0x0  }
0x13b: {  	[sflag:s5] =	ssyncadd.s32 $0xFFFFFF80  }
0x13c: {  	[tilespmem:s14], [sflag:$0x3] =	stream.indirect.gather [spmem:s2], $0x80, s31, s4, $0xb8;
	[tilespmem:$0x11B70] =	vst v63  }
0x13d: {  	_ =	swait.ge [sflag:s3], $0x4000  }
0x13e: {  	[sflag:s3] =	ssyncset.done $0x0  }
0x13f: {  	[sflag:s3] =	ssyncadd.s32 $0xFFFFC000  }
0x140: {  	[tilespmem:s17], [sflag:$0x3] =	stream.indirect.gather [spmem:s2], $0x80, s30, s4, $0xb8;
	[tilespmem:$0x11B70] =	vst v63  }
0x141: {  	_ =	swait.ge [sflag:s3], $0x4000  }
0x142: {  	[sflag:s3] =	ssyncset.done $0x0  }
0x143: {  	s11 =	rddreg [dreg:$0x1d];
	[sflag:s3] =	ssyncadd.s32 $0xFFFFC000  }
0x144: {  	[hbm4b:s11+s1] =	stream.linear.scatter [tilespmem:s14], [sflag:$0x1], $0x8000, $0x38;
	[tilespmem:$0x11B70] =	vst v63  }
0x145: {  	_ = 	snop  }
0x146: {  	[tilespmem:s9], [sflag:$0x3] =	stream.indirect.gather [spmem:s2], $0x80, s28, s4, $0xb8;
	[tilespmem:$0x11B70] =	vst v63  }
0x147: {  	_ =	swait.ge [sflag:s3], $0x4000  }
0x148: {  	[sflag:s3] =	ssyncset.done $0x0  }
0x149: {  	s18 =	simm.s32 $0xDB70;
	[sflag:s3] =	ssyncadd.s32 $0xFFFFC000  }
0x14a: {  	[tilespmem:s18], [sflag:$0x3] =	stream.indirect.gather [spmem:s2], $0x80, s26, s4, $0xb8;
	[tilespmem:$0x11B70] =	vst v63  }
0x14b: {  	_ =	swait.ge [sflag:s3], $0x4000  }
0x14c: {  	[sflag:s3] =	ssyncset.done $0x0  }
0x14d: {  	s11 =	rddreg [dreg:$0x7];
	[sflag:s3] =	ssyncadd.s32 $0xFFFFC000  }
0x14e: {  	[hbm4b:s11+s1] =	stream.linear.scatter [tilespmem:s9], [sflag:$0x2], $0x8000, $0x38;
	[tilespmem:$0x11B70] =	vst v63  }
0x14f: {  	_ =	swait.ge [sflag:s7], $0x8000  }
0x150: {  	[sflag:s7] =	ssyncset.done $0x0  }
0x151: {  	[sflag:s7] =	ssyncadd.s32 $0xFFFF8000  }
0x152: {  	[tilespmem:s14], [sflag:$0x3] =	stream.indirect.gather [spmem:s2], $0x80, s25, s4, $0xb8;
	[tilespmem:$0x11B70] =	vst v63  }
0x153: {  	_ =	swait.ge [sflag:s3], $0x4000  }
0x154: {  	[sflag:s3] =	ssyncset.done $0x0  }
0x155: {  	[sflag:s3] =	ssyncadd.s32 $0xFFFFC000  }
0x156: {  	[tilespmem:s17], [sflag:$0x3] =	stream.indirect.gather [spmem:s2], $0x80, s24, s4, $0xb8;
	[tilespmem:$0x11B70] =	vst v63  }
0x157: {  	_ =	swait.ge [sflag:s3], $0x4000  }
0x158: {  	[sflag:s3] =	ssyncset.done $0x0  }
0x159: {  	s11 =	rddreg [dreg:$0x8];
	[sflag:s3] =	ssyncadd.s32 $0xFFFFC000  }
0x15a: {  	[hbm4b:s11+s1] =	stream.linear.scatter [tilespmem:s14], [sflag:$0x1], $0x8000, $0x38;
	[tilespmem:$0x11B70] =	vst v63  }
0x15b: {  	_ =	swait.ge [sflag:s5], $0x8000  }
0x15c: {  	[sflag:s5] =	ssyncset.done $0x0  }
0x15d: {  	[sflag:s5] =	ssyncadd.s32 $0xFFFF8000  }
0x15e: {  	[tilespmem:s9], [sflag:$0x3] =	stream.indirect.gather [spmem:s2], $0x80, s23, s4, $0xb8;
	[tilespmem:$0x11B70] =	vst v63  }
0x15f: {  	_ =	swait.ge [sflag:s3], $0x4000  }
0x160: {  	[sflag:s3] =	ssyncset.done $0x0  }
0x161: {  	[sflag:s3] =	ssyncadd.s32 $0xFFFFC000  }
0x162: {  	[tilespmem:s18], [sflag:$0x3] =	stream.indirect.gather [spmem:s2], $0x80, s22, s4, $0xb8;
	[tilespmem:$0x11B70] =	vst v63  }
0x163: {  	_ =	swait.ge [sflag:s3], $0x4000  }
0x164: {  	[sflag:s3] =	ssyncset.done $0x0  }
0x165: {  	s11 =	rddreg [dreg:$0x9];
	[sflag:s3] =	ssyncadd.s32 $0xFFFFC000  }
0x166: {  	[hbm4b:s11+s1] =	stream.linear.scatter [tilespmem:s9], [sflag:$0x2], $0x8000, $0x38;
	[tilespmem:$0x11B70] =	vst v63  }
0x167: {  	_ =	swait.ge [sflag:s7], $0x8000  }
0x168: {  	[sflag:s7] =	ssyncset.done $0x0  }
0x169: {  	[sflag:s7] =	ssyncadd.s32 $0xFFFF8000  }
0x16a: {  	[tilespmem:s14], [sflag:$0x3] =	stream.indirect.gather [spmem:s2], $0x80, s21, s4, $0xb8;
	[tilespmem:$0x11B70] =	vst v63  }
0x16b: {  	_ =	swait.ge [sflag:s3], $0x4000  }
0x16c: {  	[sflag:s3] =	ssyncset.done $0x0  }
0x16d: {  	[sflag:s3] =	ssyncadd.s32 $0xFFFFC000  }
0x16e: {  	[tilespmem:s17], [sflag:$0x3] =	stream.indirect.gather [spmem:s2], $0x80, s20, s4, $0xb8;
	[tilespmem:$0x11B70] =	vst v63  }
0x16f: {  	_ =	swait.ge [sflag:s3], $0x4000  }
0x170: {  	[sflag:s3] =	ssyncset.done $0x0  }
0x171: {  	s11 =	rddreg [dreg:$0xa];
	[sflag:s3] =	ssyncadd.s32 $0xFFFFC000  }
0x172: {  	[hbm4b:s11+s1] =	stream.linear.scatter [tilespmem:s14], [sflag:$0x1], $0x8000, $0x38;
	[tilespmem:$0x11B70] =	vst v63  }
0x173: {  	_ =	swait.ge [sflag:s5], $0x8000  }
0x174: {  	[sflag:s5] =	ssyncset.done $0x0  }
0x175: {  	[sflag:s5] =	ssyncadd.s32 $0xFFFF8000  }
0x176: {  	[tilespmem:s9], [sflag:$0x3] =	stream.indirect.gather [spmem:s2], $0x80, s19, s4, $0xb8;
	[tilespmem:$0x11B70] =	vst v63  }
0x177: {  	_ =	swait.ge [sflag:s3], $0x4000  }
0x178: {  	[sflag:s3] =	ssyncset.done $0x0  }
0x179: {  	[sflag:s3] =	ssyncadd.s32 $0xFFFFC000  }
0x17a: {  	[tilespmem:s18], [sflag:$0x3] =	stream.indirect.gather [spmem:s2], $0x80, s13, s4, $0xb8;
	[tilespmem:$0x11B70] =	vst v63  }
0x17b: {  	_ =	swait.ge [sflag:s3], $0x4000  }
0x17c: {  	[sflag:s3] =	ssyncset.done $0x0  }
0x17d: {  	s11 =	rddreg [dreg:$0xb];
	[sflag:s3] =	ssyncadd.s32 $0xFFFFC000  }
0x17e: {  	[hbm4b:s11+s1] =	stream.linear.scatter [tilespmem:s9], [sflag:$0x2], $0x8000, $0x38;
	[tilespmem:$0x11B70] =	vst v63  }
0x17f: {  	_ =	swait.ge [sflag:s7], $0x8000  }
0x180: {  	[sflag:s7] =	ssyncset.done $0x0  }
0x181: {  	[sflag:s7] =	ssyncadd.s32 $0xFFFF8000  }
0x182: {  	[tilespmem:s14], [sflag:$0x3] =	stream.indirect.gather [spmem:s2], $0x80, s16, s4, $0xb8;
	[tilespmem:$0x11B70] =	vst v63  }
0x183: {  	_ =	swait.ge [sflag:s3], $0x4000  }
0x184: {  	[sflag:s3] =	ssyncset.done $0x0  }
0x185: {  	[sflag:s3] =	ssyncadd.s32 $0xFFFFC000  }
0x186: {  	[tilespmem:s17], [sflag:$0x3] =	stream.indirect.gather [spmem:s2], $0x80, s15, s4, $0xb8;
	[tilespmem:$0x11B70] =	vst v63  }
0x187: {  	_ =	swait.ge [sflag:s3], $0x4000  }
0x188: {  	[sflag:s3] =	ssyncset.done $0x0  }
0x189: {  	s11 =	rddreg [dreg:$0xc];
	[sflag:s3] =	ssyncadd.s32 $0xFFFFC000  }
0x18a: {  	[hbm4b:s11+s1] =	stream.linear.scatter [tilespmem:s14], [sflag:$0x1], $0x8000, $0x38;
	[tilespmem:$0x11B70] =	vst v63  }
0x18b: {  	_ =	swait.ge [sflag:s5], $0x8000  }
0x18c: {  	[sflag:s5] =	ssyncset.done $0x0  }
0x18d: {  	[sflag:s5] =	ssyncadd.s32 $0xFFFF8000  }
0x18e: {  	[tilespmem:s9], [sflag:$0x3] =	stream.indirect.gather [spmem:s2], $0x80, s10, s4, $0xb8;
	[tilespmem:$0x11B70] =	vst v63  }
0x18f: {  	_ =	swait.ge [sflag:s3], $0x4000  }
0x190: {  	[sflag:s3] =	ssyncset.done $0x0  }
0x191: {  	[sflag:s3] =	ssyncadd.s32 $0xFFFFC000  }
0x192: {  	[tilespmem:s18], [sflag:$0x3] =	stream.indirect.gather [spmem:s2], $0x80, s12, s4, $0xb8;
	[tilespmem:$0x11B70] =	vst v63  }
0x193: {  	_ =	swait.ge [sflag:s3], $0x4000  }
0x194: {  	s6 =	sadd.s32 $0xFFFFFFFF, s6;
	[sflag:s3] =	ssyncset.done $0x0  }
0x195: {  	p2 =	sne.s32 s6, $0x0;
	s11 =	rddreg [dreg:$0xd];
	[sflag:s3] =	ssyncadd.s32 $0xFFFFC000  }
0x196: {  	[hbm4b:s11+s1] =	stream.linear.scatter [tilespmem:s9], [sflag:$0x2], $0x8000, $0x38;
	[tilespmem:$0x11B70] =	vst v63  }
.Ltmp2:
0x197: {  	_ =	swait.ge [sflag:s7], $0x8000;
	(pc) =	sbr.rel @p2 .LBB2_4-.Ltmp2, $4  }
0x198: {  	[sflag:s7] =	ssyncset.done $0x0  }
0x199: {  	[sflag:s7] =	ssyncadd.s32 $0xFFFF8000  }
0x19a: {  	_ =	swait.ge [sflag:s5], $0x8000  }
0x19b: {  	s8 =	rddreg [dreg:$0x6];
	[sflag:s5] =	ssyncset.done $0x0  }
0x19c: {  	s10 =	rddreg [dreg:$0x1e]  }
0x19d: {  	s30 =	rddreg [dreg:$0x1d]  }
0x19e: {  	s11 =	rddreg [dreg:$0x4]  }
.LBB2_6:
0x19f: {  	[sflag:s5] =	ssyncadd.s32 @p1 $0xFFFF8000;
	s6 =	simm.s32 $0xB70  }
0x1a0: {  	[tilespmem:s6], [sflag:$0x3] =	stream.linear.gather [hbm4b:s8+s1], $0x800, $0x38;
	[tilespmem:$0x11B70] =	vst v63  }
0x1a1: {  	_ =	swait.ge [sflag:s3], $0x800  }
0x1a2: {  	[sflag:s3] =	ssyncset.done $0x0  }
0x1a3: {  	s8 =	simm.s32 $0x1370;
	[sflag:s3] =	ssyncadd.s32 $0xFFFFF800  }
0x1a4: {  	[tilespmem:s8], [sflag:$0x2] =	stream.indirect.gather [hbm4b:s29+s4], $0x1, s6, s4, $0xb8;
	[tilespmem:$0x11B70] =	vst v63  }
0x1a5: {  	s31 =	simm.s32 $0x13F0;
	s0 =	rddreg [dreg:$0xe]  }
0x1a6: {  	[tilespmem:s31], [sflag:$0x2] =	stream.indirect.gather [hbm4b:s29+s4], $0x1, s0, s4, $0xb8;
	[tilespmem:$0x11B70] =	vst v63  }
0x1a7: {  	s28 =	simm.s32 $0x1470;
	s13 =	rddreg [dreg:$0xf]  }
0x1a8: {  	[tilespmem:s28], [sflag:$0x2] =	stream.indirect.gather [hbm4b:s29+s4], $0x1, s13, s4, $0xb8;
	[tilespmem:$0x11B70] =	vst v63  }
0x1a9: {  	s26 =	simm.s32 $0x14F0;
	s15 =	rddreg [dreg:$0x10]  }
0x1aa: {  	[tilespmem:s26], [sflag:$0x2] =	stream.indirect.gather [hbm4b:s29+s4], $0x1, s15, s4, $0xb8;
	[tilespmem:$0x11B70] =	vst v63  }
0x1ab: {  	s25 =	simm.s32 $0x1570;
	s16 =	rddreg [dreg:$0x11]  }
0x1ac: {  	[tilespmem:s25], [sflag:$0x2] =	stream.indirect.gather [hbm4b:s29+s4], $0x1, s16, s4, $0xb8;
	[tilespmem:$0x11B70] =	vst v63  }
0x1ad: {  	s24 =	simm.s32 $0x15F0;
	s19 =	rddreg [dreg:$0x12]  }
0x1ae: {  	[tilespmem:s24], [sflag:$0x2] =	stream.indirect.gather [hbm4b:s29+s4], $0x1, s19, s4, $0xb8;
	[tilespmem:$0x11B70] =	vst v63  }
0x1af: {  	s23 =	simm.s32 $0x1670;
	s20 =	rddreg [dreg:$0x13]  }
0x1b0: {  	[tilespmem:s23], [sflag:$0x2] =	stream.indirect.gather [hbm4b:s29+s4], $0x1, s20, s4, $0xb8;
	[tilespmem:$0x11B70] =	vst v63  }
0x1b1: {  	s22 =	simm.s32 $0x16F0;
	s21 =	rddreg [dreg:$0x14]  }
0x1b2: {  	[tilespmem:s22], [sflag:$0x2] =	stream.indirect.gather [hbm4b:s29+s4], $0x1, s21, s4, $0xb8;
	[tilespmem:$0x11B70] =	vst v63  }
0x1b3: {  	s13 =	rddreg [dreg:$0x15];
	s21 =	simm.s32 $0x1770  }
0x1b4: {  	[tilespmem:s21], [sflag:$0x2] =	stream.indirect.gather [hbm4b:s29+s4], $0x1, s13, s4, $0xb8;
	[tilespmem:$0x11B70] =	vst v63  }
0x1b5: {  	s15 =	rddreg [dreg:$0x16];
	s20 =	simm.s32 $0x17F0  }
0x1b6: {  	[tilespmem:s20], [sflag:$0x2] =	stream.indirect.gather [hbm4b:s29+s4], $0x1, s15, s4, $0xb8;
	[tilespmem:$0x11B70] =	vst v63  }
0x1b7: {  	s16 =	rddreg [dreg:$0x17];
	s19 =	simm.s32 $0x1870  }
0x1b8: {  	[tilespmem:s19], [sflag:$0x2] =	stream.indirect.gather [hbm4b:s29+s4], $0x1, s16, s4, $0xb8;
	[tilespmem:$0x11B70] =	vst v63  }
0x1b9: {  	s13 =	rddreg [dreg:$0x18];
	s16 =	simm.s32 $0x18F0  }
0x1ba: {  	[tilespmem:s16], [sflag:$0x2] =	stream.indirect.gather [hbm4b:s29+s4], $0x1, s13, s4, $0xb8;
	[tilespmem:$0x11B70] =	vst v63  }
0x1bb: {  	s15 =	rddreg [dreg:$0x19];
	s13 =	simm.s32 $0x1970  }
0x1bc: {  	[tilespmem:s13], [sflag:$0x2] =	stream.indirect.gather [hbm4b:s29+s4], $0x1, s15, s4, $0xb8;
	[tilespmem:$0x11B70] =	vst v63  }
0x1bd: {  	s0 =	rddreg [dreg:$0x1a];
	s15 =	simm.s32 $0x19F0  }
0x1be: {  	[tilespmem:s15], [sflag:$0x2] =	stream.indirect.gather [hbm4b:s29+s4], $0x1, s0, s4, $0xb8;
	[tilespmem:$0x11B70] =	vst v63  }
0x1bf: {  	s6 =	rddreg [dreg:$0x1b];
	s15 =	simm.s32 $0x1A70  }
0x1c0: {  	[tilespmem:s15], [sflag:$0x2] =	stream.indirect.gather [hbm4b:s29+s4], $0x1, s6, s4, $0xb8;
	[tilespmem:$0x11B70] =	vst v63  }
0x1c1: {  	s0 =	rddreg [dreg:$0x1c]  }
0x1c2: {  	[tilespmem:s12], [sflag:$0x2] =	stream.indirect.gather [hbm4b:s29+s4], $0x1, s0, s4, $0xb8;
	[tilespmem:$0x11B70] =	vst v63  }
0x1c3: {  	s6 =	rddreg [dreg:$0x5];
	s0 =	simm.s32 @!p0 $0x1C03  }
0x1c4: {  	[spmem:s10], [sflag:s0] =	dma.local @!p0 [hbm:s6], $0x16E0  }
0x1c5: {  	s0 =	simm.s32 @!p0 $0x3  }
0x1c6: {  	_ =	swait.ge @!p0 [sflag:s0], $0x16E0  }
0x1c7: {  	[sflag:s0] =	ssyncset.done @!p0 $0x0  }
0x1c8: {  	[sflag:s0] =	ssyncadd.s32 @!p0 $0xFFFFE920  }
0x1c9: {  	[bflag:$0x0] =	sbarrier.arrive $0xFFFF  }
0x1ca: {  	_ =	swait.ge [sflag:s5], $0x80  }
0x1cb: {  	[sflag:s5] =	ssyncset.done $0x0  }
0x1cc: {  	[sflag:s5] =	ssyncadd.s32 $0xFFFFFF80  }
0x1cd: {  	_ =	swait.ge [sflag:s5], $0x80  }
0x1ce: {  	[sflag:s5] =	ssyncset.done $0x0  }
0x1cf: {  	[sflag:s5] =	ssyncadd.s32 $0xFFFFFF80  }
0x1d0: {  	_ =	swait.ge [sflag:s5], $0x80  }
0x1d1: {  	[sflag:s5] =	ssyncset.done $0x0  }
0x1d2: {  	[sflag:s5] =	ssyncadd.s32 $0xFFFFFF80  }
0x1d3: {  	_ =	swait.ge [sflag:s5], $0x80  }
0x1d4: {  	[sflag:s5] =	ssyncset.done $0x0  }
0x1d5: {  	[sflag:s5] =	ssyncadd.s32 $0xFFFFFF80  }
0x1d6: {  	_ =	swait.ge [sflag:s5], $0x80  }
0x1d7: {  	[sflag:s5] =	ssyncset.done $0x0  }
0x1d8: {  	[sflag:s5] =	ssyncadd.s32 $0xFFFFFF80  }
0x1d9: {  	_ =	swait.ge [sflag:s5], $0x80  }
0x1da: {  	[sflag:s5] =	ssyncset.done $0x0  }
0x1db: {  	[sflag:s5] =	ssyncadd.s32 $0xFFFFFF80  }
0x1dc: {  	_ =	swait.ge [sflag:s5], $0x80  }
0x1dd: {  	[sflag:s5] =	ssyncset.done $0x0  }
0x1de: {  	[sflag:s5] =	ssyncadd.s32 $0xFFFFFF80  }
0x1df: {  	_ =	swait.ge [sflag:s5], $0x80  }
0x1e0: {  	[sflag:s5] =	ssyncset.done $0x0  }
0x1e1: {  	[sflag:s5] =	ssyncadd.s32 $0xFFFFFF80  }
0x1e2: {  	_ =	swait.ge [sflag:s5], $0x80  }
0x1e3: {  	[sflag:s5] =	ssyncset.done $0x0  }
0x1e4: {  	[sflag:s5] =	ssyncadd.s32 $0xFFFFFF80  }
0x1e5: {  	_ =	swait.ge [sflag:s5], $0x80  }
0x1e6: {  	[sflag:s5] =	ssyncset.done $0x0  }
0x1e7: {  	[sflag:s5] =	ssyncadd.s32 $0xFFFFFF80  }
0x1e8: {  	_ =	swait.ge [sflag:s5], $0x80  }
0x1e9: {  	[sflag:s5] =	ssyncset.done $0x0  }
0x1ea: {  	[sflag:s5] =	ssyncadd.s32 $0xFFFFFF80  }
0x1eb: {  	_ =	swait.ge [sflag:s5], $0x80  }
0x1ec: {  	[sflag:s5] =	ssyncset.done $0x0  }
0x1ed: {  	[sflag:s5] =	ssyncadd.s32 $0xFFFFFF80  }
0x1ee: {  	_ =	swait.ge [sflag:s5], $0x80  }
0x1ef: {  	[sflag:s5] =	ssyncset.done $0x0  }
0x1f0: {  	[sflag:s5] =	ssyncadd.s32 $0xFFFFFF80  }
0x1f1: {  	_ =	swait.ge [sflag:s5], $0x80  }
0x1f2: {  	[sflag:s5] =	ssyncset.done $0x0  }
0x1f3: {  	[sflag:s5] =	ssyncadd.s32 $0xFFFFFF80  }
0x1f4: {  	_ =	swait.ge [sflag:s5], $0x80  }
0x1f5: {  	[sflag:s5] =	ssyncset.done $0x0  }
0x1f6: {  	[sflag:s5] =	ssyncadd.s32 $0xFFFFFF80  }
0x1f7: {  	_ =	swait.ge [sflag:s5], $0x80  }
0x1f8: {  	[sflag:s5] =	ssyncset.done $0x0  }
0x1f9: {  	[sflag:s5] =	ssyncadd.s32 $0xFFFFFF80  }
0x1fa: {  	[tilespmem:s14], [sflag:$0x3] =	stream.indirect.gather [spmem:s2], $0x80, s8, s4, $0xb8;
	[tilespmem:$0x11B70] =	vst v63  }
0x1fb: {  	_ =	swait.ge [sflag:s3], $0x4000  }
0x1fc: {  	[sflag:s3] =	ssyncset.done $0x0  }
0x1fd: {  	[sflag:s3] =	ssyncadd.s32 $0xFFFFC000  }
0x1fe: {  	[tilespmem:s17], [sflag:$0x3] =	stream.indirect.gather [spmem:s2], $0x80, s31, s4, $0xb8;
	[tilespmem:$0x11B70] =	vst v63  }
0x1ff: {  	_ =	swait.ge [sflag:s3], $0x4000  }
0x200: {  	[sflag:s3] =	ssyncset.done $0x0  }
0x201: {  	[sflag:s3] =	ssyncadd.s32 $0xFFFFC000  }
0x202: {  	[hbm4b:s30+s1] =	stream.linear.scatter [tilespmem:s14], [sflag:$0x1], $0x8000, $0x38;
	[tilespmem:$0x11B70] =	vst v63  }
0x203: {  	_ = 	snop  }
0x204: {  	[tilespmem:s9], [sflag:$0x3] =	stream.indirect.gather [spmem:s2], $0x80, s28, s4, $0xb8;
	[tilespmem:$0x11B70] =	vst v63  }
0x205: {  	_ =	swait.ge [sflag:s3], $0x4000  }
0x206: {  	[sflag:s3] =	ssyncset.done $0x0  }
0x207: {  	[sflag:s3] =	ssyncadd.s32 $0xFFFFC000  }
0x208: {  	[tilespmem:s18], [sflag:$0x3] =	stream.indirect.gather [spmem:s2], $0x80, s26, s4, $0xb8;
	[tilespmem:$0x11B70] =	vst v63  }
0x209: {  	_ =	swait.ge [sflag:s3], $0x4000  }
0x20a: {  	[sflag:s3] =	ssyncset.done $0x0  }
0x20b: {  	s10 =	rddreg [dreg:$0x7];
	[sflag:s3] =	ssyncadd.s32 $0xFFFFC000  }
0x20c: {  	[hbm4b:s10+s1] =	stream.linear.scatter [tilespmem:s9], [sflag:$0x2], $0x8000, $0x38;
	[tilespmem:$0x11B70] =	vst v63  }
0x20d: {  	_ =	swait.ge [sflag:s7], $0x8000  }
0x20e: {  	[sflag:s7] =	ssyncset.done $0x0  }
0x20f: {  	[sflag:s7] =	ssyncadd.s32 $0xFFFF8000  }
0x210: {  	[tilespmem:s14], [sflag:$0x3] =	stream.indirect.gather [spmem:s2], $0x80, s25, s4, $0xb8;
	[tilespmem:$0x11B70] =	vst v63  }
0x211: {  	_ =	swait.ge [sflag:s3], $0x4000  }
0x212: {  	[sflag:s3] =	ssyncset.done $0x0  }
0x213: {  	[sflag:s3] =	ssyncadd.s32 $0xFFFFC000  }
0x214: {  	[tilespmem:s17], [sflag:$0x3] =	stream.indirect.gather [spmem:s2], $0x80, s24, s4, $0xb8;
	[tilespmem:$0x11B70] =	vst v63  }
0x215: {  	_ =	swait.ge [sflag:s3], $0x4000  }
0x216: {  	[sflag:s3] =	ssyncset.done $0x0  }
0x217: {  	s24 =	rddreg [dreg:$0x8];
	[sflag:s3] =	ssyncadd.s32 $0xFFFFC000  }
0x218: {  	[hbm4b:s24+s1] =	stream.linear.scatter [tilespmem:s14], [sflag:$0x1], $0x8000, $0x38;
	[tilespmem:$0x11B70] =	vst v63  }
0x219: {  	_ =	swait.ge [sflag:s5], $0x8000  }
0x21a: {  	[sflag:s5] =	ssyncset.done $0x0  }
0x21b: {  	[sflag:s5] =	ssyncadd.s32 $0xFFFF8000  }
0x21c: {  	[tilespmem:s9], [sflag:$0x3] =	stream.indirect.gather [spmem:s2], $0x80, s23, s4, $0xb8;
	[tilespmem:$0x11B70] =	vst v63  }
0x21d: {  	_ =	swait.ge [sflag:s3], $0x4000  }
0x21e: {  	[sflag:s3] =	ssyncset.done $0x0  }
0x21f: {  	[sflag:s3] =	ssyncadd.s32 $0xFFFFC000  }
0x220: {  	[tilespmem:s18], [sflag:$0x3] =	stream.indirect.gather [spmem:s2], $0x80, s22, s4, $0xb8;
	[tilespmem:$0x11B70] =	vst v63  }
0x221: {  	_ =	swait.ge [sflag:s3], $0x4000  }
0x222: {  	[sflag:s3] =	ssyncset.done $0x0  }
0x223: {  	s25 =	rddreg [dreg:$0x9];
	[sflag:s3] =	ssyncadd.s32 $0xFFFFC000  }
0x224: {  	[hbm4b:s25+s1] =	stream.linear.scatter [tilespmem:s9], [sflag:$0x2], $0x8000, $0x38;
	[tilespmem:$0x11B70] =	vst v63  }
0x225: {  	_ =	swait.ge [sflag:s7], $0x8000  }
0x226: {  	[sflag:s7] =	ssyncset.done $0x0  }
0x227: {  	[sflag:s7] =	ssyncadd.s32 $0xFFFF8000  }
0x228: {  	[tilespmem:s14], [sflag:$0x3] =	stream.indirect.gather [spmem:s2], $0x80, s21, s4, $0xb8;
	[tilespmem:$0x11B70] =	vst v63  }
0x229: {  	_ =	swait.ge [sflag:s3], $0x4000  }
0x22a: {  	[sflag:s3] =	ssyncset.done $0x0  }
0x22b: {  	[sflag:s3] =	ssyncadd.s32 $0xFFFFC000  }
0x22c: {  	[tilespmem:s17], [sflag:$0x3] =	stream.indirect.gather [spmem:s2], $0x80, s20, s4, $0xb8;
	[tilespmem:$0x11B70] =	vst v63  }
0x22d: {  	_ =	swait.ge [sflag:s3], $0x4000  }
0x22e: {  	[sflag:s3] =	ssyncset.done $0x0  }
0x22f: {  	s26 =	rddreg [dreg:$0xa];
	[sflag:s3] =	ssyncadd.s32 $0xFFFFC000  }
0x230: {  	[hbm4b:s26+s1] =	stream.linear.scatter [tilespmem:s14], [sflag:$0x1], $0x8000, $0x38;
	[tilespmem:$0x11B70] =	vst v63  }
0x231: {  	_ =	swait.ge [sflag:s5], $0x8000  }
0x232: {  	[sflag:s5] =	ssyncset.done $0x0  }
0x233: {  	[sflag:s5] =	ssyncadd.s32 $0xFFFF8000  }
0x234: {  	[tilespmem:s9], [sflag:$0x3] =	stream.indirect.gather [spmem:s2], $0x80, s19, s4, $0xb8;
	[tilespmem:$0x11B70] =	vst v63  }
0x235: {  	_ =	swait.ge [sflag:s3], $0x4000  }
0x236: {  	[sflag:s3] =	ssyncset.done $0x0  }
0x237: {  	[sflag:s3] =	ssyncadd.s32 $0xFFFFC000  }
0x238: {  	[tilespmem:s18], [sflag:$0x3] =	stream.indirect.gather [spmem:s2], $0x80, s16, s4, $0xb8;
	[tilespmem:$0x11B70] =	vst v63  }
0x239: {  	_ =	swait.ge [sflag:s3], $0x4000  }
0x23a: {  	[sflag:s3] =	ssyncset.done $0x0  }
0x23b: {  	s28 =	rddreg [dreg:$0xb];
	[sflag:s3] =	ssyncadd.s32 $0xFFFFC000  }
0x23c: {  	[hbm4b:s28+s1] =	stream.linear.scatter [tilespmem:s9], [sflag:$0x2], $0x8000, $0x38;
	[tilespmem:$0x11B70] =	vst v63  }
0x23d: {  	_ =	swait.ge [sflag:s7], $0x8000  }
0x23e: {  	[sflag:s7] =	ssyncset.done $0x0  }
0x23f: {  	[sflag:s7] =	ssyncadd.s32 $0xFFFF8000  }
0x240: {  	[tilespmem:s14], [sflag:$0x3] =	stream.indirect.gather [spmem:s2], $0x80, s13, s4, $0xb8;
	[tilespmem:$0x11B70] =	vst v63  }
0x241: {  	_ =	swait.ge [sflag:s3], $0x4000  }
0x242: {  	[sflag:s3] =	ssyncset.done $0x0  }
0x243: {  	s29 =	simm.s32 $0x19F0;
	[sflag:s3] =	ssyncadd.s32 $0xFFFFC000  }
0x244: {  	[tilespmem:s17], [sflag:$0x3] =	stream.indirect.gather [spmem:s2], $0x80, s29, s4, $0xb8;
	[tilespmem:$0x11B70] =	vst v63  }
0x245: {  	_ =	swait.ge [sflag:s3], $0x4000  }
0x246: {  	[sflag:s3] =	ssyncset.done $0x0  }
0x247: {  	s30 =	rddreg [dreg:$0xc];
	[sflag:s3] =	ssyncadd.s32 $0xFFFFC000  }
0x248: {  	[hbm4b:s30+s1] =	stream.linear.scatter [tilespmem:s14], [sflag:$0x1], $0x8000, $0x38;
	[tilespmem:$0x11B70] =	vst v63  }
0x249: {  	_ =	swait.ge [sflag:s5], $0x8000  }
0x24a: {  	[sflag:s5] =	ssyncset.done $0x0  }
0x24b: {  	s15 =	simm.s32 $0x1A70;
	[sflag:s5] =	ssyncadd.s32 $0xFFFF8000  }
0x24c: {  	[tilespmem:s9], [sflag:$0x3] =	stream.indirect.gather [spmem:s2], $0x80, s15, s4, $0xb8;
	[tilespmem:$0x11B70] =	vst v63  }
0x24d: {  	_ =	swait.ge [sflag:s3], $0x4000  }
0x24e: {  	[sflag:s3] =	ssyncset.done $0x0  }
0x24f: {  	[sflag:s3] =	ssyncadd.s32 $0xFFFFC000  }
0x250: {  	[tilespmem:s18], [sflag:$0x3] =	stream.indirect.gather [spmem:s2], $0x80, s12, s4, $0xb8;
	[tilespmem:$0x11B70] =	vst v63  }
0x251: {  	_ =	swait.ge [sflag:s3], $0x4000  }
0x252: {  	[sflag:s3] =	ssyncset.done $0x0  }
0x253: {  	s31 =	rddreg [dreg:$0xd];
	[sflag:s3] =	ssyncadd.s32 $0xFFFFC000  }
0x254: {  	[hbm4b:s31+s1] =	stream.linear.scatter [tilespmem:s9], [sflag:$0x2], $0x8000, $0x38;
	[tilespmem:$0x11B70] =	vst v63  }
0x255: {  	_ =	swait.ge [sflag:s7], $0x8000  }
0x256: {  	[sflag:s7] =	ssyncset.done $0x0  }
0x257: {  	[sflag:s7] =	ssyncadd.s32 $0xFFFF8000  }
0x258: {  	_ =	swait.ge [sflag:s5], $0x8000  }
0x259: {  	[sflag:s5] =	ssyncset.done $0x0  }
0x25a: {  	[sflag:s5] =	ssyncadd.s32 $0xFFFF8000  }
0x25b: {  	_ =	sfence.sel $0x180000  }
0x25c: {  	[bflag:$0x0] =	sbarrier.arrive $0xFFFF  }
0x25d: {  	_ =	strace $0x90000047  }
0x25e: {  	s0 =	sadd.s32 @!p0 $0x100000, s11;
	[bflag:$0x2] =	sbarrier.arrive $0xFFFF  }
0x25f: {  	[sflag:s0] =	ssyncadd.tile.s32 @!p0 $0x1;
	_ =	shalt  }
.LBB2_1:
.Ltmp3:
0x260: {  	(pc) =	sbr.rel .LBB2_6-.Ltmp3, $3  }
0x261: {  	_ =	sdelay $0x1  }
0x262: {  	s10 =	rddreg [dreg:$0x1e]  }
0x263: {  	s30 =	rddreg [dreg:$0x1d]  }
.LBB2_7:
.Ltmp4:
0x264: {  	(pc) =	sbr.rel .LBB2_6-.Ltmp4, $4  }
0x265: {  	_ = 	snop  }
0x266: {  	s10 =	rddreg [dreg:$0x1e]  }
0x267: {  	s30 =	rddreg [dreg:$0x1d]  }
0x268: {  	s11 =	rddreg [dreg:$0x4]  }
.Lfunc_end2:
_tile_overlayer_lowered:
.L_overlay_start_2:
0x269: {  	(tag) =	ssettag $0x2  }
0x26a: {  	s0 =	rddreg [dreg:$0x0];
	s2 =	stileid.u32  }
0x26b: {  	s1 =	rddreg [dreg:$0x1];
	p0 =	sne.s32 s2, $0x0  }
0x26c: {  	s3 =	rddreg [dreg:$0x2];
	[bflag:$0x3] =	sbarrier.arrive $0xFFFF;
	s2 =	simm.s32 @!p0 $0x1C03  }
0x26d: {  	[timem:s3], [sflag:s2] =	dma.local @!p0 [hbm:s0], s1  }
0x26e: {  	s0 =	simm.s32 @!p0 $0x3  }
0x26f: {  	_ =	swait.ge @!p0 [sflag:s0], s1  }
0x270: {  	s1 =	ssub.s32 @!p0 $0x0, s1;
	[sflag:s0] =	ssyncset.done @!p0 $0x0  }
0x271: {  	[sflag:s0] =	ssyncadd.s32 @!p0 s1  }
0x272: {  	[bflag:$0x3] =	sbarrier.arrive $0xFFFF  }
0x273: {  	_ =	shalt  }

</sc_bundles>
